<compile_context>
chip_gen: v7x
topology: tpu7x:2x2x1
jax: 0.10.2.dev20260603
libtpu: 0.0.44.dev20260713+nightly
codegen_flags: <defaults>
</compile_context>

<pallas_src>
import jax
import jax.numpy as jnp
from jax import lax
from jax.experimental import pallas as pl
from jax.experimental.pallas import tpu as pltpu
from jax.experimental.pallas import tpu_sc as plsc

_N = 10000
_E = 320000
_NC, _NS = 2, 16
_K = 64
_CPT = 320
_CG = 64
_NG = _CPT // _CG
_EPAD = _NS * _CPT * _K
_NPAD = 10112
_RPT = _NPAD // _NS
_CW = 16
_BLK = 1000
_GRID = _N // _BLK

_f32 = jnp.float32
_sc_params = pltpu.CompilerParams(use_tc_tiling_on_sc=False)


def _make_sc_segsum(w, with_cnt=False):
    mesh = plsc.VectorSubcoreMesh(core_axis_name="c", subcore_axis_name="s",
                                  num_cores=_NC, num_subcores=_NS)
    out_type = [jax.ShapeDtypeStruct((_NPAD, w), _f32)] * 2
    scratch = [pltpu.VMEM_SHARED((_NPAD, w), _f32),
               pltpu.VMEM_SHARED((_NPAD, w), _f32),
               pltpu.VMEM((_CG, _K), jnp.int32),
               pltpu.VMEM((_CG, _K), jnp.int32),
               pltpu.VMEM((5, _K, w), _f32),
               pltpu.SemaphoreType.DMA,
               pltpu.SemaphoreType.DMA]
    n_in = 5 + (2 if with_cnt else 0)
    n_out = 2 + (2 if with_cnt else 0)
    if with_cnt:
        out_type += [jax.ShapeDtypeStruct((_NPAD, _CW), _f32)] * 2
        scratch += [pltpu.VMEM_SHARED((_NPAD, _CW), _f32),
                    pltpu.VMEM((_K, _CW), _f32),
                    pltpu.SemaphoreType.DMA]

    def body(*refs):
        y0, y1, src_hbm, dst_hbm, zeros_hbm = refs[:5]
        out0, out1 = refs[n_in:n_in + 2]
        (table_sh, acc, src_v, dst_v, rows, sem, sem_s) = \
            refs[n_in + n_out:n_in + n_out + 7]
        if with_cnt:
            zc_hbm, ones_hbm = refs[5:7]
            cout_a, cout_b = refs[n_in + 2:n_in + 4]
            cacc, ones_v, sem_c = refs[n_in + n_out + 7:]
        c = lax.axis_index("c")
        s = lax.axis_index("s")
        sl = pl.ds(s * _RPT, _RPT)

        @pl.when(c == 0)
        def _():
            pltpu.sync_copy(y0.at[sl], table_sh.at[sl])

        @pl.when(c == 1)
        def _():
            pltpu.sync_copy(y1.at[sl], table_sh.at[sl])

        pltpu.sync_copy(zeros_hbm, acc.at[sl])
        if with_cnt:
            pltpu.sync_copy(zc_hbm, cacc.at[sl])
            pltpu.sync_copy(ones_hbm, ones_v)
        plsc.subcore_barrier()

        def group(g, carry):
            pltpu.sync_copy(src_hbm.at[s, pl.ds(g * _CG, _CG)], src_v)
            pltpu.sync_copy(dst_hbm.at[s, pl.ds(g * _CG, _CG)], dst_v)
            if with_cnt:
                cp = jnp.equal(c == 0, g < _NG // 2)
            for p in range(4):
                pltpu.async_copy(table_sh.at[src_v.at[p]], rows.at[p], sem)

            def chunk(j, carry2):
                b = lax.rem(j, 5)
                bn = lax.rem(j + 4, 5)
                pltpu.make_async_copy(
                    table_sh.at[src_v.at[j]], rows.at[b], sem).wait()

                @pl.when(j >= 1)
                def _():
                    pltpu.make_async_copy(
                        rows.at[bn], acc.at[dst_v.at[j - 1]],
                        sem_s).wait()

                @pl.when(j + 4 < _CG)
                def _():
                    pltpu.async_copy(
                        table_sh.at[src_v.at[j + 4]], rows.at[bn], sem)

                pltpu.async_copy(rows.at[b], acc.at[dst_v.at[j]], sem_s,
                                 add=True)
                if with_cnt:
                    @pl.when(cp)
                    def _():
                        pltpu.async_copy(ones_v, cacc.at[dst_v.at[j]],
                                         sem_c, add=True)

                    @pl.when(jnp.logical_and(cp, j >= 1))
                    def _():
                        pltpu.make_async_copy(
                            ones_v, cacc.at[dst_v.at[j - 1]],
                            sem_c).wait()

                return carry2

            lax.fori_loop(0, _CG, chunk, 0)
            pltpu.make_async_copy(
                rows.at[(_CG - 1) % 5], acc.at[dst_v.at[_CG - 1]],
                sem_s).wait()
            if with_cnt:
                @pl.when(cp)
                def _():
                    pltpu.make_async_copy(
                        ones_v, cacc.at[dst_v.at[_CG - 1]], sem_c).wait()
            return carry

        lax.fori_loop(0, _NG, group, 0)
        plsc.subcore_barrier()

        @pl.when(c == 0)
        def _():
            pltpu.sync_copy(acc.at[sl], out0.at[sl])
            if with_cnt:
                pltpu.sync_copy(cacc.at[sl], cout_a.at[sl])

        @pl.when(c == 1)
        def _():
            pltpu.sync_copy(acc.at[sl], out1.at[sl])
            if with_cnt:
                pltpu.sync_copy(cacc.at[sl], cout_b.at[sl])

    return pl.kernel(body, out_type, mesh=mesh, scratch_types=scratch,
                     compiler_params=_sc_params)


_sc64c = _make_sc_segsum(64, with_cnt=True)
_sc64 = _make_sc_segsum(64)
_sc32 = _make_sc_segsum(32)


def _tc_first(x, wlT, wrT):
    def body(x_r, wl_r, wr_r, ylo_r, yhi_r, r_r):
        xb = x_r[...]
        y = jnp.dot(xb, wl_r[...], preferred_element_type=_f32)
        ylo_r[...] = y[:, :64]
        yhi_r[...] = y[:, 64:]
        r_r[...] = jnp.dot(xb, wr_r[...], preferred_element_type=_f32)

    return pl.pallas_call(
        body, grid=(_GRID,),
        in_specs=[pl.BlockSpec((_BLK, 128), lambda i: (i, 0)),
                  pl.BlockSpec((128, 128), lambda i: (0, 0)),
                  pl.BlockSpec((128, 128), lambda i: (0, 0))],
        out_specs=[pl.BlockSpec((_BLK, 64), lambda i: (i, 0)),
                   pl.BlockSpec((_BLK, 64), lambda i: (i, 0)),
                   pl.BlockSpec((_BLK, 128), lambda i: (i, 0))],
        out_shape=[jax.ShapeDtypeStruct((_NPAD, 64), _f32),
                   jax.ShapeDtypeStruct((_NPAD, 64), _f32),
                   jax.ShapeDtypeStruct((_N, 128), _f32)],
    )(x, wlT, wrT)


def _tc_mid(agg0, agg1, cnt_a, cnt_b, r, bl, wlT, wrT):
    wh = agg0.shape[1]
    win = 2 * wh
    wout = wlT.shape[1]
    wrout = wrT.shape[1]
    wyh = wout // 2

    def body(a0, a1, cA, cB, r_r, bl_r, wl_r, wr_r, ylo_r, yhi_r, rr_r):
        cnt = cA[...][:, :1] + cB[...][:, :1]
        inv = 1.0 / jnp.maximum(cnt, 1.0)
        agg = jnp.concatenate([a0[...], a1[...]], axis=1)
        h = jnp.maximum(agg * inv + bl_r[...] + r_r[...], 0.0)
        y = jnp.dot(h, wl_r[...], preferred_element_type=_f32)
        ylo_r[...] = y[:, :wyh]
        yhi_r[...] = y[:, wyh:]
        rr_r[...] = jnp.dot(h, wr_r[...], preferred_element_type=_f32)

    return pl.pallas_call(
        body, grid=(_GRID,),
        in_specs=[pl.BlockSpec((_BLK, wh), lambda i: (i, 0)),
                  pl.BlockSpec((_BLK, wh), lambda i: (i, 0)),
                  pl.BlockSpec((_BLK, _CW), lambda i: (i, 0)),
                  pl.BlockSpec((_BLK, _CW), lambda i: (i, 0)),
                  pl.BlockSpec((_BLK, win), lambda i: (i, 0)),
                  pl.BlockSpec((1, win), lambda i: (0, 0)),
                  pl.BlockSpec((win, wout), lambda i: (0, 0)),
                  pl.BlockSpec((win, wrout), lambda i: (0, 0))],
        out_specs=[pl.BlockSpec((_BLK, wyh), lambda i: (i, 0)),
                   pl.BlockSpec((_BLK, wyh), lambda i: (i, 0)),
                   pl.BlockSpec((_BLK, wrout), lambda i: (i, 0))],
        out_shape=[jax.ShapeDtypeStruct((_NPAD, wyh), _f32),
                   jax.ShapeDtypeStruct((_NPAD, wyh), _f32),
                   jax.ShapeDtypeStruct((_N, wrout), _f32)],
    )(agg0, agg1, cnt_a, cnt_b, r, bl, wlT, wrT)


def _tc_final(agg0, agg1, cnt_a, cnt_b, r, bl, wcT, bcp):
    wh = agg0.shape[1]
    win = 2 * wh

    def body(a0, a1, cA, cB, r_r, bl_r, wc_r, bc_r, o_r):
        cnt = cA[...][:, :1] + cB[...][:, :1]
        inv = 1.0 / jnp.maximum(cnt, 1.0)
        agg = jnp.concatenate([a0[...], a1[...]], axis=1)
        h = jnp.maximum(agg * inv + bl_r[...] + r_r[...], 0.0)
        o_r[...] = jnp.dot(h, wc_r[...], preferred_element_type=_f32) + bc_r[...]

    return pl.pallas_call(
        body, grid=(_GRID,),
        in_specs=[pl.BlockSpec((_BLK, wh), lambda i: (i, 0)),
                  pl.BlockSpec((_BLK, wh), lambda i: (i, 0)),
                  pl.BlockSpec((_BLK, _CW), lambda i: (i, 0)),
                  pl.BlockSpec((_BLK, _CW), lambda i: (i, 0)),
                  pl.BlockSpec((_BLK, win), lambda i: (i, 0)),
                  pl.BlockSpec((1, win), lambda i: (0, 0)),
                  pl.BlockSpec((win, 128), lambda i: (0, 0)),
                  pl.BlockSpec((1, 128), lambda i: (0, 0))],
        out_specs=pl.BlockSpec((_BLK, 128), lambda i: (i, 0)),
        out_shape=jax.ShapeDtypeStruct((_N, 128), _f32),
    )(agg0, agg1, cnt_a, cnt_b, r, bl, wcT, bcp)


def kernel(x, edge_index, Wl1, bl1, Wr1, Wl2, bl2, Wr2, Wl3, bl3, Wr3, Wc, bc):
    src = edge_index[0]
    dst = edge_index[1]
    pad = _EPAD - _E
    src_p = jnp.concatenate(
        [src, jnp.zeros((pad,), jnp.int32)]).reshape(_NS, _CPT, _K)
    dst_p = jnp.concatenate(
        [dst, jnp.full((pad,), _N, jnp.int32)]).reshape(_NS, _CPT, _K)
    z64 = jnp.zeros((_RPT, 64), _f32)
    z32 = jnp.zeros((_RPT, 32), _f32)
    zc = jnp.zeros((_RPT, _CW), _f32)
    ones = jnp.ones((_K, _CW), _f32)
    bl1r = bl1.reshape(1, -1)
    bl2r = bl2.reshape(1, -1)
    bl3r = bl3.reshape(1, -1)
    wcT = jnp.zeros((64, 128), _f32).at[:, :7].set(Wc.T)
    bcp = jnp.zeros((1, 128), _f32).at[0, :7].set(bc)

    y1lo, y1hi, r1 = _tc_first(x, Wl1.T, Wr1.T)
    a1lo, a1hi, cnt_a, cnt_b = _sc64c(y1lo, y1hi, src_p, dst_p, z64, zc, ones)
    y2lo, y2hi, r2 = _tc_mid(a1lo, a1hi, cnt_a, cnt_b, r1, bl1r,
                             Wl2.T, Wr2.T)
    a2lo, a2hi = _sc64(y2lo, y2hi, src_p, dst_p, z64)
    y3lo, y3hi, r3 = _tc_mid(a2lo, a2hi, cnt_a, cnt_b, r2, bl2r,
                             Wl3.T, Wr3.T)
    a3lo, a3hi = _sc32(y3lo, y3hi, src_p, dst_p, z32)
    logits = _tc_final(a3lo, a3hi, cnt_a, cnt_b, r3, bl3r, wcT, bcp)
    return logits[:, :7]

# --- scband reference (transcript-rebuilt; emitter-appended) ---
"""Pipeline reference for scband-graph-sage-62371515072939 (READ-ONLY COPY).

The authoritative reference and input builder live on the scoring server;
editing this copy changes nothing except your own understanding.
"""

import jax, jax.numpy as jnp
import numpy as np

N = 10000
E = 320000
D = 128
H = 128
OUT = 64
C = 7


def setup_inputs(seed: int = 0) -> dict:
    key = jax.random.key(seed)
    ks = jax.random.split(key, 16)
    s = 0.05
    inp = {}
    inp["x"] = jax.random.normal(ks[0], (N, D), dtype=jnp.float32)
    inp["edge_index"] = jax.random.randint(ks[1], (2, E), 0, N, dtype=jnp.int32)
    # SAGEConv params: lin_l (aggregated neighbors, with bias), lin_r (root, no bias)
    inp["Wl1"] = jax.random.normal(ks[2], (H, D), dtype=jnp.float32) * s
    inp["bl1"] = jnp.zeros((H,), dtype=jnp.float32)
    inp["Wr1"] = jax.random.normal(ks[3], (H, D), dtype=jnp.float32) * s
    inp["Wl2"] = jax.random.normal(ks[4], (H, H), dtype=jnp.float32) * s
    inp["bl2"] = jnp.zeros((H,), dtype=jnp.float32)
    inp["Wr2"] = jax.random.normal(ks[5], (H, H), dtype=jnp.float32) * s
    inp["Wl3"] = jax.random.normal(ks[6], (OUT, H), dtype=jnp.float32) * s
    inp["bl3"] = jnp.zeros((OUT,), dtype=jnp.float32)
    inp["Wr3"] = jax.random.normal(ks[7], (OUT, H), dtype=jnp.float32) * s
    inp["Wc"] = jax.random.normal(ks[8], (C, OUT), dtype=jnp.float32) * s
    inp["bc"] = jnp.zeros((C,), dtype=jnp.float32)
    return inp


def _sage_conv(x, edge_index, Wl, bl, Wr):
    # PyG SAGEConv with mean aggregation:
    # out = lin_l(mean_{j in N(i)} x_j) + lin_r(x_i)
    src = edge_index[0]
    dst = edge_index[1]
    n = x.shape[0]
    msgs = jnp.take(x, src, axis=0)  # gather source node features
    agg = jax.ops.segment_sum(msgs, dst, num_segments=n)  # scatter-add by dst
    cnt = jax.ops.segment_sum(jnp.ones((edge_index.shape[1],), dtype=jnp.float32), dst, num_segments=n)
    mean = agg / jnp.clip(cnt, 1.0, None)[:, None]
    return mean @ Wl.T + bl + x @ Wr.T


def reference(x, edge_index, Wl1, bl1, Wr1, Wl2, bl2, Wr2, Wl3, bl3, Wr3, Wc, bc):
    # dropout is identity in eval mode (training=False)
    h = jax.nn.relu(_sage_conv(x, edge_index, Wl1, bl1, Wr1))
    h = jax.nn.relu(_sage_conv(h, edge_index, Wl2, bl2, Wr2))
    h = jax.nn.relu(_sage_conv(h, edge_index, Wl3, bl3, Wr3))
    logits = h @ Wc.T + bc
    return logits

if __name__ == "__main__":
    import jax
    _d = setup_inputs()
    print(jax.jit(kernel)(*tuple(_d.values())))

</pallas_src>

<mosaic_0001>
#map = affine_map<(d0, d1) -> (0, 0)>
#map1 = affine_map<(d0, d1) -> (0, 0, 0)>
module attributes {stable_mosaic.version = 14 : i64} {
  func.func @body(%arg0: i32, %arg1: i32, %arg2: memref<10112x64xf32, #tpu.memory_space<hbm>>, %arg3: memref<10112x64xf32, #tpu.memory_space<hbm>>, %arg4: memref<16x320x64xi32, #tpu.memory_space<hbm>>, %arg5: memref<16x320x64xi32, #tpu.memory_space<hbm>>, %arg6: memref<632x64xf32, #tpu.memory_space<hbm>>, %arg7: memref<632x16xf32, #tpu.memory_space<hbm>>, %arg8: memref<64x16xf32, #tpu.memory_space<hbm>>, %arg9: memref<10112x64xf32, #tpu.memory_space<hbm>>, %arg10: memref<10112x64xf32, #tpu.memory_space<hbm>>, %arg11: memref<10112x16xf32, #tpu.memory_space<hbm>>, %arg12: memref<10112x16xf32, #tpu.memory_space<hbm>>, %arg13: memref<10112x64xf32, #tpu.memory_space<vmem_shared>>, %arg14: memref<10112x64xf32, #tpu.memory_space<vmem_shared>>, %arg15: memref<64x64xi32, #tpu.memory_space<vmem>>, %arg16: memref<64x64xi32, #tpu.memory_space<vmem>>, %arg17: memref<5x64x64xf32, #tpu.memory_space<vmem>>, %arg18: memref<!tpu.dma_semaphore, #tpu.memory_space<semaphore_mem>>, %arg19: memref<!tpu.dma_semaphore, #tpu.memory_space<semaphore_mem>>, %arg20: memref<10112x16xf32, #tpu.memory_space<vmem_shared>>, %arg21: memref<64x16xf32, #tpu.memory_space<vmem>>, %arg22: memref<!tpu.dma_semaphore, #tpu.memory_space<semaphore_mem>>) attributes {dimension_semantics = [#tpu.dimension_semantics<core_parallel>, #tpu.dimension_semantics<subcore_parallel>], iteration_bounds = array<i64: 2, 16>, scalar_prefetch = 0 : i64, scratch_operands = 10 : i64, tpu.core_type = #tpu.core_type<sc_vector_subcore>, window_params = [{transform_indices = #map}, {transform_indices = #map}, {transform_indices = #map1}, {transform_indices = #map1}, {transform_indices = #map}, {transform_indices = #map}, {transform_indices = #map}, {transform_indices = #map}, {transform_indices = #map}, {transform_indices = #map}, {transform_indices = #map}]} {
    %mul3A = arith.constant 632 : i32
    %mul3A_0 = arith.muli %arg1, %mul3A : i32
    %eq3A = arith.constant 0 : i32
    %eq3A_1 = arith.cmpi eq, %arg0, %eq3A : i32
    %convert_element_type3A = arith.extui %eq3A_1 : i1 to i32
    %cond3A = arith.constant 0 : i32
    %cond3A_2 = arith.cmpi ne, %convert_element_type3A, %cond3A : i32
    scf.if %cond3A_2 {
      "tpu.region"() ({
        %run_scoped3A = tpu.sem_alloc : memref<!tpu.dma_semaphore, #tpu.memory_space<semaphore_mem>>
        %dma_start3A = arith.constant 0 : i32
        %dma_start3A_24 = tpu.memref_slice %arg13[%mul3A_0, %dma_start3A] : memref<10112x64xf32, #tpu.memory_space<vmem_shared>> -> memref<632x64xf32, #tpu.memory_space<vmem_shared>>
        %dma_start3A_25 = arith.constant 0 : i32
        %dma_start3A_26 = tpu.memref_slice %arg2[%mul3A_0, %dma_start3A_25] : memref<10112x64xf32, #tpu.memory_space<hbm>> -> memref<632x64xf32, #tpu.memory_space<hbm>>
        tpu.enqueue_dma source(%dma_start3A_26 : memref<632x64xf32, #tpu.memory_space<hbm>>) target(%dma_start3A_24 : memref<632x64xf32, #tpu.memory_space<vmem_shared>>) target_semaphore(%run_scoped3A : memref<!tpu.dma_semaphore, #tpu.memory_space<semaphore_mem>>)
        %dma_wait3A = arith.constant 0 : i32
        %dma_wait3A_27 = tpu.memref_slice %arg13[%mul3A_0, %dma_wait3A] : memref<10112x64xf32, #tpu.memory_space<vmem_shared>> -> memref<632x64xf32, #tpu.memory_space<vmem_shared>>
        %dma_wait3A_28 = arith.constant 0 : i32
        %dma_wait3A_29 = tpu.memref_slice %arg2[%mul3A_0, %dma_wait3A_28] : memref<10112x64xf32, #tpu.memory_space<hbm>> -> memref<632x64xf32, #tpu.memory_space<hbm>>
        tpu.wait_dma2 semaphore(%run_scoped3A : memref<!tpu.dma_semaphore, #tpu.memory_space<semaphore_mem>>) src(%dma_wait3A_29 : memref<632x64xf32, #tpu.memory_space<hbm>>) dst(%dma_wait3A_27 : memref<632x64xf32, #tpu.memory_space<vmem_shared>>)
        tpu.yield
      }) : () -> ()
    } else {
    }
    %eq3A_3 = arith.constant 1 : i32
    %eq3A_4 = arith.cmpi eq, %arg0, %eq3A_3 : i32
    %convert_element_type3A_5 = arith.extui %eq3A_4 : i1 to i32
    %cond3A_6 = arith.constant 0 : i32
    %cond3A_7 = arith.cmpi ne, %convert_element_type3A_5, %cond3A_6 : i32
    scf.if %cond3A_7 {
      "tpu.region"() ({
        %run_scoped3A = tpu.sem_alloc : memref<!tpu.dma_semaphore, #tpu.memory_space<semaphore_mem>>
        %dma_start3A = arith.constant 0 : i32
        %dma_start3A_24 = tpu.memref_slice %arg13[%mul3A_0, %dma_start3A] : memref<10112x64xf32, #tpu.memory_space<vmem_shared>> -> memref<632x64xf32, #tpu.memory_space<vmem_shared>>
        %dma_start3A_25 = arith.constant 0 : i32
        %dma_start3A_26 = tpu.memref_slice %arg3[%mul3A_0, %dma_start3A_25] : memref<10112x64xf32, #tpu.memory_space<hbm>> -> memref<632x64xf32, #tpu.memory_space<hbm>>
        tpu.enqueue_dma source(%dma_start3A_26 : memref<632x64xf32, #tpu.memory_space<hbm>>) target(%dma_start3A_24 : memref<632x64xf32, #tpu.memory_space<vmem_shared>>) target_semaphore(%run_scoped3A : memref<!tpu.dma_semaphore, #tpu.memory_space<semaphore_mem>>)
        %dma_wait3A = arith.constant 0 : i32
        %dma_wait3A_27 = tpu.memref_slice %arg13[%mul3A_0, %dma_wait3A] : memref<10112x64xf32, #tpu.memory_space<vmem_shared>> -> memref<632x64xf32, #tpu.memory_space<vmem_shared>>
        %dma_wait3A_28 = arith.constant 0 : i32
        %dma_wait3A_29 = tpu.memref_slice %arg3[%mul3A_0, %dma_wait3A_28] : memref<10112x64xf32, #tpu.memory_space<hbm>> -> memref<632x64xf32, #tpu.memory_space<hbm>>
        tpu.wait_dma2 semaphore(%run_scoped3A : memref<!tpu.dma_semaphore, #tpu.memory_space<semaphore_mem>>) src(%dma_wait3A_29 : memref<632x64xf32, #tpu.memory_space<hbm>>) dst(%dma_wait3A_27 : memref<632x64xf32, #tpu.memory_space<vmem_shared>>)
        tpu.yield
      }) : () -> ()
    } else {
    }
    "tpu.region"() ({
      %run_scoped3A = tpu.sem_alloc : memref<!tpu.dma_semaphore, #tpu.memory_space<semaphore_mem>>
      %dma_start3A = arith.constant 0 : i32
      %dma_start3A_24 = tpu.memref_slice %arg14[%mul3A_0, %dma_start3A] : memref<10112x64xf32, #tpu.memory_space<vmem_shared>> -> memref<632x64xf32, #tpu.memory_space<vmem_shared>>
      tpu.enqueue_dma source(%arg6 : memref<632x64xf32, #tpu.memory_space<hbm>>) target(%dma_start3A_24 : memref<632x64xf32, #tpu.memory_space<vmem_shared>>) target_semaphore(%run_scoped3A : memref<!tpu.dma_semaphore, #tpu.memory_space<semaphore_mem>>)
      %dma_wait3A = arith.constant 0 : i32
      %dma_wait3A_25 = tpu.memref_slice %arg14[%mul3A_0, %dma_wait3A] : memref<10112x64xf32, #tpu.memory_space<vmem_shared>> -> memref<632x64xf32, #tpu.memory_space<vmem_shared>>
      tpu.wait_dma2 semaphore(%run_scoped3A : memref<!tpu.dma_semaphore, #tpu.memory_space<semaphore_mem>>) src(%arg6 : memref<632x64xf32, #tpu.memory_space<hbm>>) dst(%dma_wait3A_25 : memref<632x64xf32, #tpu.memory_space<vmem_shared>>)
      tpu.yield
    }) : () -> ()
    "tpu.region"() ({
      %run_scoped3A = tpu.sem_alloc : memref<!tpu.dma_semaphore, #tpu.memory_space<semaphore_mem>>
      %dma_start3A = arith.constant 0 : i32
      %dma_start3A_24 = tpu.memref_slice %arg20[%mul3A_0, %dma_start3A] : memref<10112x16xf32, #tpu.memory_space<vmem_shared>> -> memref<632x16xf32, #tpu.memory_space<vmem_shared>>
      tpu.enqueue_dma source(%arg7 : memref<632x16xf32, #tpu.memory_space<hbm>>) target(%dma_start3A_24 : memref<632x16xf32, #tpu.memory_space<vmem_shared>>) target_semaphore(%run_scoped3A : memref<!tpu.dma_semaphore, #tpu.memory_space<semaphore_mem>>)
      %dma_wait3A = arith.constant 0 : i32
      %dma_wait3A_25 = tpu.memref_slice %arg20[%mul3A_0, %dma_wait3A] : memref<10112x16xf32, #tpu.memory_space<vmem_shared>> -> memref<632x16xf32, #tpu.memory_space<vmem_shared>>
      tpu.wait_dma2 semaphore(%run_scoped3A : memref<!tpu.dma_semaphore, #tpu.memory_space<semaphore_mem>>) src(%arg7 : memref<632x16xf32, #tpu.memory_space<hbm>>) dst(%dma_wait3A_25 : memref<632x16xf32, #tpu.memory_space<vmem_shared>>)
      tpu.yield
    }) : () -> ()
    "tpu.region"() ({
      %run_scoped3A = tpu.sem_alloc : memref<!tpu.dma_semaphore, #tpu.memory_space<semaphore_mem>>
      tpu.enqueue_dma source(%arg8 : memref<64x16xf32, #tpu.memory_space<hbm>>) target(%arg21 : memref<64x16xf32, #tpu.memory_space<vmem>>) target_semaphore(%run_scoped3A : memref<!tpu.dma_semaphore, #tpu.memory_space<semaphore_mem>>)
      tpu.wait_dma2 semaphore(%run_scoped3A : memref<!tpu.dma_semaphore, #tpu.memory_space<semaphore_mem>>) src(%arg8 : memref<64x16xf32, #tpu.memory_space<hbm>>) dst(%arg21 : memref<64x16xf32, #tpu.memory_space<vmem>>)
      tpu.yield
    }) : () -> ()
    %barrier3A = arith.constant 0 : index
    tpu.barrier barrier_id(%barrier3A)
    %scan3A = arith.constant 0 : i32
    %scan3A_8 = arith.constant 0 : i32
    %scan3A_9 = arith.constant 5 : i32
    %scan3A_10 = arith.addi %scan3A_8, %scan3A_9 : i32
    %scan3A_11 = arith.constant 1 : i32
    scf.for %scan3A_24 = %scan3A_8 to %scan3A_10 step %scan3A_11  : i32 {
      %mul3A_25 = arith.constant 64 : i32
      %mul3A_26 = arith.muli %scan3A_24, %mul3A_25 : i32
      "tpu.region"() ({
        %run_scoped3A = tpu.sem_alloc : memref<!tpu.dma_semaphore, #tpu.memory_space<semaphore_mem>>
        %dma_start3A_102 = arith.constant 0 : i32
        %dma_start3A_103 = tpu.memref_slice %arg4[%arg1, %mul3A_26, %dma_start3A_102] : memref<16x320x64xi32, #tpu.memory_space<hbm>> -> memref<1x64x64xi32, #tpu.memory_space<hbm>>
        %dma_start3A_104 = tpu.memref_squeeze %dma_start3A_103 : memref<1x64x64xi32, #tpu.memory_space<hbm>> -> memref<64x64xi32, #tpu.memory_space<hbm>>
        %dma_start3A_105 = arith.constant 0 : i32
        %dma_start3A_106 = tpu.memref_slice %arg4[%arg1, %mul3A_26, %dma_start3A_105] : memref<16x320x64xi32, #tpu.memory_space<hbm>> -> memref<1x64x64xi32, #tpu.memory_space<hbm>>
        %dma_start3A_107 = tpu.memref_squeeze %dma_start3A_106 : memref<1x64x64xi32, #tpu.memory_space<hbm>> -> memref<64x64xi32, #tpu.memory_space<hbm>>
        tpu.enqueue_dma source(%dma_start3A_107 : memref<64x64xi32, #tpu.memory_space<hbm>>) target(%arg15 : memref<64x64xi32, #tpu.memory_space<vmem>>) target_semaphore(%run_scoped3A : memref<!tpu.dma_semaphore, #tpu.memory_space<semaphore_mem>>)
        %dma_wait3A_108 = arith.constant 0 : i32
        %dma_wait3A_109 = tpu.memref_slice %arg4[%arg1, %mul3A_26, %dma_wait3A_108] : memref<16x320x64xi32, #tpu.memory_space<hbm>> -> memref<1x64x64xi32, #tpu.memory_space<hbm>>
        %dma_wait3A_110 = tpu.memref_squeeze %dma_wait3A_109 : memref<1x64x64xi32, #tpu.memory_space<hbm>> -> memref<64x64xi32, #tpu.memory_space<hbm>>
        %dma_wait3A_111 = arith.constant 0 : i32
        %dma_wait3A_112 = tpu.memref_slice %arg4[%arg1, %mul3A_26, %dma_wait3A_111] : memref<16x320x64xi32, #tpu.memory_space<hbm>> -> memref<1x64x64xi32, #tpu.memory_space<hbm>>
        %dma_wait3A_113 = tpu.memref_squeeze %dma_wait3A_112 : memref<1x64x64xi32, #tpu.memory_space<hbm>> -> memref<64x64xi32, #tpu.memory_space<hbm>>
        tpu.wait_dma2 semaphore(%run_scoped3A : memref<!tpu.dma_semaphore, #tpu.memory_space<semaphore_mem>>) src(%dma_wait3A_113 : memref<64x64xi32, #tpu.memory_space<hbm>>) dst(%arg15 : memref<64x64xi32, #tpu.memory_space<vmem>>)
        tpu.yield
      }) : () -> ()
      %mul3A_27 = arith.constant 64 : i32
      %mul3A_28 = arith.muli %scan3A_24, %mul3A_27 : i32
      "tpu.region"() ({
        %run_scoped3A = tpu.sem_alloc : memref<!tpu.dma_semaphore, #tpu.memory_space<semaphore_mem>>
        %dma_start3A_102 = arith.constant 0 : i32
        %dma_start3A_103 = tpu.memref_slice %arg5[%arg1, %mul3A_28, %dma_start3A_102] : memref<16x320x64xi32, #tpu.memory_space<hbm>> -> memref<1x64x64xi32, #tpu.memory_space<hbm>>
        %dma_start3A_104 = tpu.memref_squeeze %dma_start3A_103 : memref<1x64x64xi32, #tpu.memory_space<hbm>> -> memref<64x64xi32, #tpu.memory_space<hbm>>
        %dma_start3A_105 = arith.constant 0 : i32
        %dma_start3A_106 = tpu.memref_slice %arg5[%arg1, %mul3A_28, %dma_start3A_105] : memref<16x320x64xi32, #tpu.memory_space<hbm>> -> memref<1x64x64xi32, #tpu.memory_space<hbm>>
        %dma_start3A_107 = tpu.memref_squeeze %dma_start3A_106 : memref<1x64x64xi32, #tpu.memory_space<hbm>> -> memref<64x64xi32, #tpu.memory_space<hbm>>
        tpu.enqueue_dma source(%dma_start3A_107 : memref<64x64xi32, #tpu.memory_space<hbm>>) target(%arg16 : memref<64x64xi32, #tpu.memory_space<vmem>>) target_semaphore(%run_scoped3A : memref<!tpu.dma_semaphore, #tpu.memory_space<semaphore_mem>>)
        %dma_wait3A_108 = arith.constant 0 : i32
        %dma_wait3A_109 = tpu.memref_slice %arg5[%arg1, %mul3A_28, %dma_wait3A_108] : memref<16x320x64xi32, #tpu.memory_space<hbm>> -> memref<1x64x64xi32, #tpu.memory_space<hbm>>
        %dma_wait3A_110 = tpu.memref_squeeze %dma_wait3A_109 : memref<1x64x64xi32, #tpu.memory_space<hbm>> -> memref<64x64xi32, #tpu.memory_space<hbm>>
        %dma_wait3A_111 = arith.constant 0 : i32
        %dma_wait3A_112 = tpu.memref_slice %arg5[%arg1, %mul3A_28, %dma_wait3A_111] : memref<16x320x64xi32, #tpu.memory_space<hbm>> -> memref<1x64x64xi32, #tpu.memory_space<hbm>>
        %dma_wait3A_113 = tpu.memref_squeeze %dma_wait3A_112 : memref<1x64x64xi32, #tpu.memory_space<hbm>> -> memref<64x64xi32, #tpu.memory_space<hbm>>
        tpu.wait_dma2 semaphore(%run_scoped3A : memref<!tpu.dma_semaphore, #tpu.memory_space<semaphore_mem>>) src(%dma_wait3A_113 : memref<64x64xi32, #tpu.memory_space<hbm>>) dst(%arg16 : memref<64x64xi32, #tpu.memory_space<vmem>>)
        tpu.yield
      }) : () -> ()
      %eq3A_29 = arith.constant 0 : i32
      %eq3A_30 = arith.cmpi eq, %arg0, %eq3A_29 : i32
      %lt3A = arith.constant 2 : i32
      %lt3A_31 = arith.cmpi slt, %scan3A_24, %lt3A : i32
      %eq3A_32 = arith.xori %eq3A_30, %lt3A_31 : i1
      %eq3A_33 = arith.constant true
      %eq3A_34 = arith.xori %eq3A_32, %eq3A_33 : i1
      %dma_start3A = arith.constant 0 : i32
      %dma_start3A_35 = arith.constant 0 : i32
      %dma_start3A_36 = arith.constant 0 : i32
      %dma_start3A_37 = arith.constant 0 : i32
      %dma_start3A_38 = tpu.memref_slice %arg17[%dma_start3A_35, %dma_start3A_36, %dma_start3A_37] : memref<5x64x64xf32, #tpu.memory_space<vmem>> -> memref<1x64x64xf32, #tpu.memory_space<vmem>>
      %dma_start3A_39 = tpu.memref_squeeze %dma_start3A_38 : memref<1x64x64xf32, #tpu.memory_space<vmem>> -> memref<64x64xf32, #tpu.memory_space<vmem>>
      %dma_start3A_40 = arith.constant 0 : i32
      %dma_start3A_41 = tpu.memref_slice %arg15[%dma_start3A, %dma_start3A_40] : memref<64x64xi32, #tpu.memory_space<vmem>> -> memref<1x64xi32, #tpu.memory_space<vmem>>
      %dma_start3A_42 = tpu.memref_squeeze %dma_start3A_41 : memref<1x64xi32, #tpu.memory_space<vmem>> -> memref<64xi32, #tpu.memory_space<vmem>>
      %dma_start3A_43 = arith.constant 0 : i32
      %dma_start3A_44 = arith.constant 0 : i32
      %dma_start3A_45 = tpu.memref_slice %arg13[%dma_start3A_43, %dma_start3A_44] : memref<10112x64xf32, #tpu.memory_space<vmem_shared>> -> memref<10112x64xf32, #tpu.memory_space<vmem_shared>>
      tpu.enqueue_indirect_dma source(%dma_start3A_45 : memref<10112x64xf32, #tpu.memory_space<vmem_shared>>) target(%dma_start3A_39 : memref<64x64xf32, #tpu.memory_space<vmem>>) offsets(%dma_start3A_42 : memref<64xi32, #tpu.memory_space<vmem>>) semaphore(%arg18 : memref<!tpu.dma_semaphore, #tpu.memory_space<semaphore_mem>>)
      %dma_start3A_46 = arith.constant 1 : i32
      %dma_start3A_47 = arith.constant 1 : i32
      %dma_start3A_48 = arith.constant 0 : i32
      %dma_start3A_49 = arith.constant 0 : i32
      %dma_start3A_50 = tpu.memref_slice %arg17[%dma_start3A_47, %dma_start3A_48, %dma_start3A_49] : memref<5x64x64xf32, #tpu.memory_space<vmem>> -> memref<1x64x64xf32, #tpu.memory_space<vmem>>
      %dma_start3A_51 = tpu.memref_squeeze %dma_start3A_50 : memref<1x64x64xf32, #tpu.memory_space<vmem>> -> memref<64x64xf32, #tpu.memory_space<vmem>>
      %dma_start3A_52 = arith.constant 0 : i32
      %dma_start3A_53 = tpu.memref_slice %arg15[%dma_start3A_46, %dma_start3A_52] : memref<64x64xi32, #tpu.memory_space<vmem>> -> memref<1x64xi32, #tpu.memory_space<vmem>>
      %dma_start3A_54 = tpu.memref_squeeze %dma_start3A_53 : memref<1x64xi32, #tpu.memory_space<vmem>> -> memref<64xi32, #tpu.memory_space<vmem>>
      %dma_start3A_55 = arith.constant 0 : i32
      %dma_start3A_56 = arith.constant 0 : i32
      %dma_start3A_57 = tpu.memref_slice %arg13[%dma_start3A_55, %dma_start3A_56] : memref<10112x64xf32, #tpu.memory_space<vmem_shared>> -> memref<10112x64xf32, #tpu.memory_space<vmem_shared>>
      tpu.enqueue_indirect_dma source(%dma_start3A_57 : memref<10112x64xf32, #tpu.memory_space<vmem_shared>>) target(%dma_start3A_51 : memref<64x64xf32, #tpu.memory_space<vmem>>) offsets(%dma_start3A_54 : memref<64xi32, #tpu.memory_space<vmem>>) semaphore(%arg18 : memref<!tpu.dma_semaphore, #tpu.memory_space<semaphore_mem>>)
      %dma_start3A_58 = arith.constant 2 : i32
      %dma_start3A_59 = arith.constant 2 : i32
      %dma_start3A_60 = arith.constant 0 : i32
      %dma_start3A_61 = arith.constant 0 : i32
      %dma_start3A_62 = tpu.memref_slice %arg17[%dma_start3A_59, %dma_start3A_60, %dma_start3A_61] : memref<5x64x64xf32, #tpu.memory_space<vmem>> -> memref<1x64x64xf32, #tpu.memory_space<vmem>>
      %dma_start3A_63 = tpu.memref_squeeze %dma_start3A_62 : memref<1x64x64xf32, #tpu.memory_space<vmem>> -> memref<64x64xf32, #tpu.memory_space<vmem>>
      %dma_start3A_64 = arith.constant 0 : i32
      %dma_start3A_65 = tpu.memref_slice %arg15[%dma_start3A_58, %dma_start3A_64] : memref<64x64xi32, #tpu.memory_space<vmem>> -> memref<1x64xi32, #tpu.memory_space<vmem>>
      %dma_start3A_66 = tpu.memref_squeeze %dma_start3A_65 : memref<1x64xi32, #tpu.memory_space<vmem>> -> memref<64xi32, #tpu.memory_space<vmem>>
      %dma_start3A_67 = arith.constant 0 : i32
      %dma_start3A_68 = arith.constant 0 : i32
      %dma_start3A_69 = tpu.memref_slice %arg13[%dma_start3A_67, %dma_start3A_68] : memref<10112x64xf32, #tpu.memory_space<vmem_shared>> -> memref<10112x64xf32, #tpu.memory_space<vmem_shared>>
      tpu.enqueue_indirect_dma source(%dma_start3A_69 : memref<10112x64xf32, #tpu.memory_space<vmem_shared>>) target(%dma_start3A_63 : memref<64x64xf32, #tpu.memory_space<vmem>>) offsets(%dma_start3A_66 : memref<64xi32, #tpu.memory_space<vmem>>) semaphore(%arg18 : memref<!tpu.dma_semaphore, #tpu.memory_space<semaphore_mem>>)
      %dma_start3A_70 = arith.constant 3 : i32
      %dma_start3A_71 = arith.constant 3 : i32
      %dma_start3A_72 = arith.constant 0 : i32
      %dma_start3A_73 = arith.constant 0 : i32
      %dma_start3A_74 = tpu.memref_slice %arg17[%dma_start3A_71, %dma_start3A_72, %dma_start3A_73] : memref<5x64x64xf32, #tpu.memory_space<vmem>> -> memref<1x64x64xf32, #tpu.memory_space<vmem>>
      %dma_start3A_75 = tpu.memref_squeeze %dma_start3A_74 : memref<1x64x64xf32, #tpu.memory_space<vmem>> -> memref<64x64xf32, #tpu.memory_space<vmem>>
      %dma_start3A_76 = arith.constant 0 : i32
      %dma_start3A_77 = tpu.memref_slice %arg15[%dma_start3A_70, %dma_start3A_76] : memref<64x64xi32, #tpu.memory_space<vmem>> -> memref<1x64xi32, #tpu.memory_space<vmem>>
      %dma_start3A_78 = tpu.memref_squeeze %dma_start3A_77 : memref<1x64xi32, #tpu.memory_space<vmem>> -> memref<64xi32, #tpu.memory_space<vmem>>
      %dma_start3A_79 = arith.constant 0 : i32
      %dma_start3A_80 = arith.constant 0 : i32
      %dma_start3A_81 = tpu.memref_slice %arg13[%dma_start3A_79, %dma_start3A_80] : memref<10112x64xf32, #tpu.memory_space<vmem_shared>> -> memref<10112x64xf32, #tpu.memory_space<vmem_shared>>
      tpu.enqueue_indirect_dma source(%dma_start3A_81 : memref<10112x64xf32, #tpu.memory_space<vmem_shared>>) target(%dma_start3A_75 : memref<64x64xf32, #tpu.memory_space<vmem>>) offsets(%dma_start3A_78 : memref<64xi32, #tpu.memory_space<vmem>>) semaphore(%arg18 : memref<!tpu.dma_semaphore, #tpu.memory_space<semaphore_mem>>)
      %scan3A_82 = arith.constant 0 : i32
      %scan3A_83 = arith.constant 0 : i32
      %scan3A_84 = arith.constant 64 : i32
      %scan3A_85 = arith.addi %scan3A_83, %scan3A_84 : i32
      %scan3A_86 = arith.constant 1 : i32
      scf.for %scan3A_102 = %scan3A_83 to %scan3A_85 step %scan3A_86  : i32 {
        %rem3A = arith.constant 5 : i32
        %rem3A_103 = arith.remsi %scan3A_102, %rem3A : i32
        %add3A = arith.constant 4 : i32
        %add3A_104 = arith.addi %scan3A_102, %add3A : i32
        %rem3A_105 = arith.constant 5 : i32
        %rem3A_106 = arith.remsi %add3A_104, %rem3A_105 : i32
        %dma_wait3A_107 = arith.constant 0 : i32
        %dma_wait3A_108 = arith.constant 0 : i32
        %dma_wait3A_109 = tpu.memref_slice %arg17[%rem3A_103, %dma_wait3A_107, %dma_wait3A_108] : memref<5x64x64xf32, #tpu.memory_space<vmem>> -> memref<1x64x64xf32, #tpu.memory_space<vmem>>
        %dma_wait3A_110 = tpu.memref_squeeze %dma_wait3A_109 : memref<1x64x64xf32, #tpu.memory_space<vmem>> -> memref<64x64xf32, #tpu.memory_space<vmem>>
        %dma_wait3A_111 = arith.constant 0 : i32
        %dma_wait3A_112 = tpu.memref_slice %arg15[%scan3A_102, %dma_wait3A_111] : memref<64x64xi32, #tpu.memory_space<vmem>> -> memref<1x64xi32, #tpu.memory_space<vmem>>
        %dma_wait3A_113 = tpu.memref_squeeze %dma_wait3A_112 : memref<1x64xi32, #tpu.memory_space<vmem>> -> memref<64xi32, #tpu.memory_space<vmem>>
        %dma_wait3A_114 = arith.constant 0 : i32
        %dma_wait3A_115 = arith.constant 0 : i32
        %dma_wait3A_116 = tpu.memref_slice %arg13[%dma_wait3A_114, %dma_wait3A_115] : memref<10112x64xf32, #tpu.memory_space<vmem_shared>> -> memref<10112x64xf32, #tpu.memory_space<vmem_shared>>
        tpu.wait_indirect_dma semaphore(%arg18 : memref<!tpu.dma_semaphore, #tpu.memory_space<semaphore_mem>>) src(%dma_wait3A_116 : memref<10112x64xf32, #tpu.memory_space<vmem_shared>>) dst(%dma_wait3A_110 : memref<64x64xf32, #tpu.memory_space<vmem>>)
        %ge3A = arith.constant 1 : i32
        %ge3A_117 = arith.cmpi sge, %scan3A_102, %ge3A : i32
        %convert_element_type3A_118 = arith.extui %ge3A_117 : i1 to i32
        %cond3A_119 = arith.constant 0 : i32
        %cond3A_120 = arith.cmpi ne, %convert_element_type3A_118, %cond3A_119 : i32
        scf.if %cond3A_120 {
          %sub3A = arith.constant 1 : i32
          %sub3A_146 = arith.subi %scan3A_102, %sub3A : i32
          %dma_wait3A_147 = arith.constant 0 : i32
          %dma_wait3A_148 = arith.constant 0 : i32
          %dma_wait3A_149 = tpu.memref_slice %arg17[%rem3A_106, %dma_wait3A_147, %dma_wait3A_148] : memref<5x64x64xf32, #tpu.memory_space<vmem>> -> memref<1x64x64xf32, #tpu.memory_space<vmem>>
          %dma_wait3A_150 = tpu.memref_squeeze %dma_wait3A_149 : memref<1x64x64xf32, #tpu.memory_space<vmem>> -> memref<64x64xf32, #tpu.memory_space<vmem>>
          %dma_wait3A_151 = arith.constant 0 : i32
          %dma_wait3A_152 = tpu.memref_slice %arg16[%sub3A_146, %dma_wait3A_151] : memref<64x64xi32, #tpu.memory_space<vmem>> -> memref<1x64xi32, #tpu.memory_space<vmem>>
          %dma_wait3A_153 = tpu.memref_squeeze %dma_wait3A_152 : memref<1x64xi32, #tpu.memory_space<vmem>> -> memref<64xi32, #tpu.memory_space<vmem>>
          %dma_wait3A_154 = arith.constant 0 : i32
          %dma_wait3A_155 = arith.constant 0 : i32
          %dma_wait3A_156 = tpu.memref_slice %arg14[%dma_wait3A_154, %dma_wait3A_155] : memref<10112x64xf32, #tpu.memory_space<vmem_shared>> -> memref<10112x64xf32, #tpu.memory_space<vmem_shared>>
          tpu.wait_indirect_dma semaphore(%arg19 : memref<!tpu.dma_semaphore, #tpu.memory_space<semaphore_mem>>) src(%dma_wait3A_150 : memref<64x64xf32, #tpu.memory_space<vmem>>) dst(%dma_wait3A_156 : memref<10112x64xf32, #tpu.memory_space<vmem_shared>>)
        } else {
        }
        %add3A_121 = arith.constant 4 : i32
        %add3A_122 = arith.addi %scan3A_102, %add3A_121 : i32
        %lt3A_123 = arith.constant 64 : i32
        %lt3A_124 = arith.cmpi slt, %add3A_122, %lt3A_123 : i32
        %convert_element_type3A_125 = arith.extui %lt3A_124 : i1 to i32
        %cond3A_126 = arith.constant 0 : i32
        %cond3A_127 = arith.cmpi ne, %convert_element_type3A_125, %cond3A_126 : i32
        scf.if %cond3A_127 {
          %add3A_146 = arith.constant 4 : i32
          %add3A_147 = arith.addi %scan3A_102, %add3A_146 : i32
          %dma_start3A_148 = arith.constant 0 : i32
          %dma_start3A_149 = arith.constant 0 : i32
          %dma_start3A_150 = tpu.memref_slice %arg17[%rem3A_106, %dma_start3A_148, %dma_start3A_149] : memref<5x64x64xf32, #tpu.memory_space<vmem>> -> memref<1x64x64xf32, #tpu.memory_space<vmem>>
          %dma_start3A_151 = tpu.memref_squeeze %dma_start3A_150 : memref<1x64x64xf32, #tpu.memory_space<vmem>> -> memref<64x64xf32, #tpu.memory_space<vmem>>
          %dma_start3A_152 = arith.constant 0 : i32
          %dma_start3A_153 = tpu.memref_slice %arg15[%add3A_147, %dma_start3A_152] : memref<64x64xi32, #tpu.memory_space<vmem>> -> memref<1x64xi32, #tpu.memory_space<vmem>>
          %dma_start3A_154 = tpu.memref_squeeze %dma_start3A_153 : memref<1x64xi32, #tpu.memory_space<vmem>> -> memref<64xi32, #tpu.memory_space<vmem>>
          %dma_start3A_155 = arith.constant 0 : i32
          %dma_start3A_156 = arith.constant 0 : i32
          %dma_start3A_157 = tpu.memref_slice %arg13[%dma_start3A_155, %dma_start3A_156] : memref<10112x64xf32, #tpu.memory_space<vmem_shared>> -> memref<10112x64xf32, #tpu.memory_space<vmem_shared>>
          tpu.enqueue_indirect_dma source(%dma_start3A_157 : memref<10112x64xf32, #tpu.memory_space<vmem_shared>>) target(%dma_start3A_151 : memref<64x64xf32, #tpu.memory_space<vmem>>) offsets(%dma_start3A_154 : memref<64xi32, #tpu.memory_space<vmem>>) semaphore(%arg18 : memref<!tpu.dma_semaphore, #tpu.memory_space<semaphore_mem>>)
        } else {
        }
        %dma_start3A_128 = arith.constant 0 : i32
        %dma_start3A_129 = arith.constant 0 : i32
        %dma_start3A_130 = tpu.memref_slice %arg17[%rem3A_103, %dma_start3A_128, %dma_start3A_129] : memref<5x64x64xf32, #tpu.memory_space<vmem>> -> memref<1x64x64xf32, #tpu.memory_space<vmem>>
        %dma_start3A_131 = tpu.memref_squeeze %dma_start3A_130 : memref<1x64x64xf32, #tpu.memory_space<vmem>> -> memref<64x64xf32, #tpu.memory_space<vmem>>
        %dma_start3A_132 = arith.constant 0 : i32
        %dma_start3A_133 = tpu.memref_slice %arg16[%scan3A_102, %dma_start3A_132] : memref<64x64xi32, #tpu.memory_space<vmem>> -> memref<1x64xi32, #tpu.memory_space<vmem>>
        %dma_start3A_134 = tpu.memref_squeeze %dma_start3A_133 : memref<1x64xi32, #tpu.memory_space<vmem>> -> memref<64xi32, #tpu.memory_space<vmem>>
        %dma_start3A_135 = arith.constant 0 : i32
        %dma_start3A_136 = arith.constant 0 : i32
        %dma_start3A_137 = tpu.memref_slice %arg14[%dma_start3A_135, %dma_start3A_136] : memref<10112x64xf32, #tpu.memory_space<vmem_shared>> -> memref<10112x64xf32, #tpu.memory_space<vmem_shared>>
        tpu.enqueue_indirect_dma source(%dma_start3A_131 : memref<64x64xf32, #tpu.memory_space<vmem>>) target(%dma_start3A_137 : memref<10112x64xf32, #tpu.memory_space<vmem_shared>>) offsets(%dma_start3A_134 : memref<64xi32, #tpu.memory_space<vmem>>) semaphore(%arg19 : memref<!tpu.dma_semaphore, #tpu.memory_space<semaphore_mem>>) {add = true}
        %convert_element_type3A_138 = arith.extui %eq3A_34 : i1 to i32
        %cond3A_139 = arith.constant 0 : i32
        %cond3A_140 = arith.cmpi ne, %convert_element_type3A_138, %cond3A_139 : i32
        scf.if %cond3A_140 {
          %dma_start3A_146 = arith.constant 0 : i32
          %dma_start3A_147 = tpu.memref_slice %arg16[%scan3A_102, %dma_start3A_146] : memref<64x64xi32, #tpu.memory_space<vmem>> -> memref<1x64xi32, #tpu.memory_space<vmem>>
          %dma_start3A_148 = tpu.memref_squeeze %dma_start3A_147 : memref<1x64xi32, #tpu.memory_space<vmem>> -> memref<64xi32, #tpu.memory_space<vmem>>
          %dma_start3A_149 = arith.constant 0 : i32
          %dma_start3A_150 = arith.constant 0 : i32
          %dma_start3A_151 = tpu.memref_slice %arg20[%dma_start3A_149, %dma_start3A_150] : memref<10112x16xf32, #tpu.memory_space<vmem_shared>> -> memref<10112x16xf32, #tpu.memory_space<vmem_shared>>
          tpu.enqueue_indirect_dma source(%arg21 : memref<64x16xf32, #tpu.memory_space<vmem>>) target(%dma_start3A_151 : memref<10112x16xf32, #tpu.memory_space<vmem_shared>>) offsets(%dma_start3A_148 : memref<64xi32, #tpu.memory_space<vmem>>) semaphore(%arg22 : memref<!tpu.dma_semaphore, #tpu.memory_space<semaphore_mem>>) {add = true}
        } else {
        }
        %ge3A_141 = arith.constant 1 : i32
        %ge3A_142 = arith.cmpi sge, %scan3A_102, %ge3A_141 : i32
        %and3A = arith.andi %eq3A_34, %ge3A_142 : i1
        %convert_element_type3A_143 = arith.extui %and3A : i1 to i32
        %cond3A_144 = arith.constant 0 : i32
        %cond3A_145 = arith.cmpi ne, %convert_element_type3A_143, %cond3A_144 : i32
        scf.if %cond3A_145 {
          %sub3A = arith.constant 1 : i32
          %sub3A_146 = arith.subi %scan3A_102, %sub3A : i32
          %dma_wait3A_147 = arith.constant 0 : i32
          %dma_wait3A_148 = tpu.memref_slice %arg16[%sub3A_146, %dma_wait3A_147] : memref<64x64xi32, #tpu.memory_space<vmem>> -> memref<1x64xi32, #tpu.memory_space<vmem>>
          %dma_wait3A_149 = tpu.memref_squeeze %dma_wait3A_148 : memref<1x64xi32, #tpu.memory_space<vmem>> -> memref<64xi32, #tpu.memory_space<vmem>>
          %dma_wait3A_150 = arith.constant 0 : i32
          %dma_wait3A_151 = arith.constant 0 : i32
          %dma_wait3A_152 = tpu.memref_slice %arg20[%dma_wait3A_150, %dma_wait3A_151] : memref<10112x16xf32, #tpu.memory_space<vmem_shared>> -> memref<10112x16xf32, #tpu.memory_space<vmem_shared>>
          tpu.wait_indirect_dma semaphore(%arg22 : memref<!tpu.dma_semaphore, #tpu.memory_space<semaphore_mem>>) src(%arg21 : memref<64x16xf32, #tpu.memory_space<vmem>>) dst(%dma_wait3A_152 : memref<10112x16xf32, #tpu.memory_space<vmem_shared>>)
        } else {
        }
      }
      %scan3A_87 = arith.constant 64 : i32
      %dma_wait3A = arith.constant 3 : i32
      %dma_wait3A_88 = arith.constant 63 : i32
      %dma_wait3A_89 = arith.constant 0 : i32
      %dma_wait3A_90 = arith.constant 0 : i32
      %dma_wait3A_91 = tpu.memref_slice %arg17[%dma_wait3A, %dma_wait3A_89, %dma_wait3A_90] : memref<5x64x64xf32, #tpu.memory_space<vmem>> -> memref<1x64x64xf32, #tpu.memory_space<vmem>>
      %dma_wait3A_92 = tpu.memref_squeeze %dma_wait3A_91 : memref<1x64x64xf32, #tpu.memory_space<vmem>> -> memref<64x64xf32, #tpu.memory_space<vmem>>
      %dma_wait3A_93 = arith.constant 0 : i32
      %dma_wait3A_94 = tpu.memref_slice %arg16[%dma_wait3A_88, %dma_wait3A_93] : memref<64x64xi32, #tpu.memory_space<vmem>> -> memref<1x64xi32, #tpu.memory_space<vmem>>
      %dma_wait3A_95 = tpu.memref_squeeze %dma_wait3A_94 : memref<1x64xi32, #tpu.memory_space<vmem>> -> memref<64xi32, #tpu.memory_space<vmem>>
      %dma_wait3A_96 = arith.constant 0 : i32
      %dma_wait3A_97 = arith.constant 0 : i32
      %dma_wait3A_98 = tpu.memref_slice %arg14[%dma_wait3A_96, %dma_wait3A_97] : memref<10112x64xf32, #tpu.memory_space<vmem_shared>> -> memref<10112x64xf32, #tpu.memory_space<vmem_shared>>
      tpu.wait_indirect_dma semaphore(%arg19 : memref<!tpu.dma_semaphore, #tpu.memory_space<semaphore_mem>>) src(%dma_wait3A_92 : memref<64x64xf32, #tpu.memory_space<vmem>>) dst(%dma_wait3A_98 : memref<10112x64xf32, #tpu.memory_space<vmem_shared>>)
      %convert_element_type3A_99 = arith.extui %eq3A_34 : i1 to i32
      %cond3A_100 = arith.constant 0 : i32
      %cond3A_101 = arith.cmpi ne, %convert_element_type3A_99, %cond3A_100 : i32
      scf.if %cond3A_101 {
        %dma_wait3A_102 = arith.constant 63 : i32
        %dma_wait3A_103 = arith.constant 0 : i32
        %dma_wait3A_104 = tpu.memref_slice %arg16[%dma_wait3A_102, %dma_wait3A_103] : memref<64x64xi32, #tpu.memory_space<vmem>> -> memref<1x64xi32, #tpu.memory_space<vmem>>
        %dma_wait3A_105 = tpu.memref_squeeze %dma_wait3A_104 : memref<1x64xi32, #tpu.memory_space<vmem>> -> memref<64xi32, #tpu.memory_space<vmem>>
        %dma_wait3A_106 = arith.constant 0 : i32
        %dma_wait3A_107 = arith.constant 0 : i32
        %dma_wait3A_108 = tpu.memref_slice %arg20[%dma_wait3A_106, %dma_wait3A_107] : memref<10112x16xf32, #tpu.memory_space<vmem_shared>> -> memref<10112x16xf32, #tpu.memory_space<vmem_shared>>
        tpu.wait_indirect_dma semaphore(%arg22 : memref<!tpu.dma_semaphore, #tpu.memory_space<semaphore_mem>>) src(%arg21 : memref<64x16xf32, #tpu.memory_space<vmem>>) dst(%dma_wait3A_108 : memref<10112x16xf32, #tpu.memory_space<vmem_shared>>)
      } else {
      }
    }
    %scan3A_12 = arith.constant 5 : i32
    %barrier3A_13 = arith.constant 0 : index
    tpu.barrier barrier_id(%barrier3A_13)
    %eq3A_14 = arith.constant 0 : i32
    %eq3A_15 = arith.cmpi eq, %arg0, %eq3A_14 : i32
    %convert_element_type3A_16 = arith.extui %eq3A_15 : i1 to i32
    %cond3A_17 = arith.constant 0 : i32
    %cond3A_18 = arith.cmpi ne, %convert_element_type3A_16, %cond3A_17 : i32
    scf.if %cond3A_18 {
      "tpu.region"() ({
        %run_scoped3A = tpu.sem_alloc : memref<!tpu.dma_semaphore, #tpu.memory_space<semaphore_mem>>
        %dma_start3A = arith.constant 0 : i32
        %dma_start3A_24 = tpu.memref_slice %arg9[%mul3A_0, %dma_start3A] : memref<10112x64xf32, #tpu.memory_space<hbm>> -> memref<632x64xf32, #tpu.memory_space<hbm>>
        %dma_start3A_25 = arith.constant 0 : i32
        %dma_start3A_26 = tpu.memref_slice %arg14[%mul3A_0, %dma_start3A_25] : memref<10112x64xf32, #tpu.memory_space<vmem_shared>> -> memref<632x64xf32, #tpu.memory_space<vmem_shared>>
        tpu.enqueue_dma source(%dma_start3A_26 : memref<632x64xf32, #tpu.memory_space<vmem_shared>>) target(%dma_start3A_24 : memref<632x64xf32, #tpu.memory_space<hbm>>) target_semaphore(%run_scoped3A : memref<!tpu.dma_semaphore, #tpu.memory_space<semaphore_mem>>)
        %dma_wait3A = arith.constant 0 : i32
        %dma_wait3A_27 = tpu.memref_slice %arg9[%mul3A_0, %dma_wait3A] : memref<10112x64xf32, #tpu.memory_space<hbm>> -> memref<632x64xf32, #tpu.memory_space<hbm>>
        %dma_wait3A_28 = arith.constant 0 : i32
        %dma_wait3A_29 = tpu.memref_slice %arg14[%mul3A_0, %dma_wait3A_28] : memref<10112x64xf32, #tpu.memory_space<vmem_shared>> -> memref<632x64xf32, #tpu.memory_space<vmem_shared>>
        tpu.wait_dma2 semaphore(%run_scoped3A : memref<!tpu.dma_semaphore, #tpu.memory_space<semaphore_mem>>) src(%dma_wait3A_29 : memref<632x64xf32, #tpu.memory_space<vmem_shared>>) dst(%dma_wait3A_27 : memref<632x64xf32, #tpu.memory_space<hbm>>)
        tpu.yield
      }) : () -> ()
      "tpu.region"() ({
        %run_scoped3A = tpu.sem_alloc : memref<!tpu.dma_semaphore, #tpu.memory_space<semaphore_mem>>
        %dma_start3A = arith.constant 0 : i32
        %dma_start3A_24 = tpu.memref_slice %arg11[%mul3A_0, %dma_start3A] : memref<10112x16xf32, #tpu.memory_space<hbm>> -> memref<632x16xf32, #tpu.memory_space<hbm>>
        %dma_start3A_25 = arith.constant 0 : i32
        %dma_start3A_26 = tpu.memref_slice %arg20[%mul3A_0, %dma_start3A_25] : memref<10112x16xf32, #tpu.memory_space<vmem_shared>> -> memref<632x16xf32, #tpu.memory_space<vmem_shared>>
        tpu.enqueue_dma source(%dma_start3A_26 : memref<632x16xf32, #tpu.memory_space<vmem_shared>>) target(%dma_start3A_24 : memref<632x16xf32, #tpu.memory_space<hbm>>) target_semaphore(%run_scoped3A : memref<!tpu.dma_semaphore, #tpu.memory_space<semaphore_mem>>)
        %dma_wait3A = arith.constant 0 : i32
        %dma_wait3A_27 = tpu.memref_slice %arg11[%mul3A_0, %dma_wait3A] : memref<10112x16xf32, #tpu.memory_space<hbm>> -> memref<632x16xf32, #tpu.memory_space<hbm>>
        %dma_wait3A_28 = arith.constant 0 : i32
        %dma_wait3A_29 = tpu.memref_slice %arg20[%mul3A_0, %dma_wait3A_28] : memref<10112x16xf32, #tpu.memory_space<vmem_shared>> -> memref<632x16xf32, #tpu.memory_space<vmem_shared>>
        tpu.wait_dma2 semaphore(%run_scoped3A : memref<!tpu.dma_semaphore, #tpu.memory_space<semaphore_mem>>) src(%dma_wait3A_29 : memref<632x16xf32, #tpu.memory_space<vmem_shared>>) dst(%dma_wait3A_27 : memref<632x16xf32, #tpu.memory_space<hbm>>)
        tpu.yield
      }) : () -> ()
    } else {
    }
    %eq3A_19 = arith.constant 1 : i32
    %eq3A_20 = arith.cmpi eq, %arg0, %eq3A_19 : i32
    %convert_element_type3A_21 = arith.extui %eq3A_20 : i1 to i32
    %cond3A_22 = arith.constant 0 : i32
    %cond3A_23 = arith.cmpi ne, %convert_element_type3A_21, %cond3A_22 : i32
    scf.if %cond3A_23 {
      "tpu.region"() ({
        %run_scoped3A = tpu.sem_alloc : memref<!tpu.dma_semaphore, #tpu.memory_space<semaphore_mem>>
        %dma_start3A = arith.constant 0 : i32
        %dma_start3A_24 = tpu.memref_slice %arg10[%mul3A_0, %dma_start3A] : memref<10112x64xf32, #tpu.memory_space<hbm>> -> memref<632x64xf32, #tpu.memory_space<hbm>>
        %dma_start3A_25 = arith.constant 0 : i32
        %dma_start3A_26 = tpu.memref_slice %arg14[%mul3A_0, %dma_start3A_25] : memref<10112x64xf32, #tpu.memory_space<vmem_shared>> -> memref<632x64xf32, #tpu.memory_space<vmem_shared>>
        tpu.enqueue_dma source(%dma_start3A_26 : memref<632x64xf32, #tpu.memory_space<vmem_shared>>) target(%dma_start3A_24 : memref<632x64xf32, #tpu.memory_space<hbm>>) target_semaphore(%run_scoped3A : memref<!tpu.dma_semaphore, #tpu.memory_space<semaphore_mem>>)
        %dma_wait3A = arith.constant 0 : i32
        %dma_wait3A_27 = tpu.memref_slice %arg10[%mul3A_0, %dma_wait3A] : memref<10112x64xf32, #tpu.memory_space<hbm>> -> memref<632x64xf32, #tpu.memory_space<hbm>>
        %dma_wait3A_28 = arith.constant 0 : i32
        %dma_wait3A_29 = tpu.memref_slice %arg14[%mul3A_0, %dma_wait3A_28] : memref<10112x64xf32, #tpu.memory_space<vmem_shared>> -> memref<632x64xf32, #tpu.memory_space<vmem_shared>>
        tpu.wait_dma2 semaphore(%run_scoped3A : memref<!tpu.dma_semaphore, #tpu.memory_space<semaphore_mem>>) src(%dma_wait3A_29 : memref<632x64xf32, #tpu.memory_space<vmem_shared>>) dst(%dma_wait3A_27 : memref<632x64xf32, #tpu.memory_space<hbm>>)
        tpu.yield
      }) : () -> ()
      "tpu.region"() ({
        %run_scoped3A = tpu.sem_alloc : memref<!tpu.dma_semaphore, #tpu.memory_space<semaphore_mem>>
        %dma_start3A = arith.constant 0 : i32
        %dma_start3A_24 = tpu.memref_slice %arg12[%mul3A_0, %dma_start3A] : memref<10112x16xf32, #tpu.memory_space<hbm>> -> memref<632x16xf32, #tpu.memory_space<hbm>>
        %dma_start3A_25 = arith.constant 0 : i32
        %dma_start3A_26 = tpu.memref_slice %arg20[%mul3A_0, %dma_start3A_25] : memref<10112x16xf32, #tpu.memory_space<vmem_shared>> -> memref<632x16xf32, #tpu.memory_space<vmem_shared>>
        tpu.enqueue_dma source(%dma_start3A_26 : memref<632x16xf32, #tpu.memory_space<vmem_shared>>) target(%dma_start3A_24 : memref<632x16xf32, #tpu.memory_space<hbm>>) target_semaphore(%run_scoped3A : memref<!tpu.dma_semaphore, #tpu.memory_space<semaphore_mem>>)
        %dma_wait3A = arith.constant 0 : i32
        %dma_wait3A_27 = tpu.memref_slice %arg12[%mul3A_0, %dma_wait3A] : memref<10112x16xf32, #tpu.memory_space<hbm>> -> memref<632x16xf32, #tpu.memory_space<hbm>>
        %dma_wait3A_28 = arith.constant 0 : i32
        %dma_wait3A_29 = tpu.memref_slice %arg20[%mul3A_0, %dma_wait3A_28] : memref<10112x16xf32, #tpu.memory_space<vmem_shared>> -> memref<632x16xf32, #tpu.memory_space<vmem_shared>>
        tpu.wait_dma2 semaphore(%run_scoped3A : memref<!tpu.dma_semaphore, #tpu.memory_space<semaphore_mem>>) src(%dma_wait3A_29 : memref<632x16xf32, #tpu.memory_space<vmem_shared>>) dst(%dma_wait3A_27 : memref<632x16xf32, #tpu.memory_space<hbm>>)
        tpu.yield
      }) : () -> ()
    } else {
    }
    return
  }
}

#map = affine_map<(d0, d1) -> (0, 0)>
#map1 = affine_map<(d0, d1) -> (0, 0, 0)>
module attributes {stable_mosaic.version = 14 : i64} {
  func.func @body(%arg0: i32, %arg1: i32, %arg2: memref<10112x64xf32, #tpu.memory_space<hbm>>, %arg3: memref<10112x64xf32, #tpu.memory_space<hbm>>, %arg4: memref<16x320x64xi32, #tpu.memory_space<hbm>>, %arg5: memref<16x320x64xi32, #tpu.memory_space<hbm>>, %arg6: memref<632x64xf32, #tpu.memory_space<hbm>>, %arg7: memref<10112x64xf32, #tpu.memory_space<hbm>>, %arg8: memref<10112x64xf32, #tpu.memory_space<hbm>>, %arg9: memref<10112x64xf32, #tpu.memory_space<vmem_shared>>, %arg10: memref<10112x64xf32, #tpu.memory_space<vmem_shared>>, %arg11: memref<64x64xi32, #tpu.memory_space<vmem>>, %arg12: memref<64x64xi32, #tpu.memory_space<vmem>>, %arg13: memref<5x64x64xf32, #tpu.memory_space<vmem>>, %arg14: memref<!tpu.dma_semaphore, #tpu.memory_space<semaphore_mem>>, %arg15: memref<!tpu.dma_semaphore, #tpu.memory_space<semaphore_mem>>) attributes {dimension_semantics = [#tpu.dimension_semantics<core_parallel>, #tpu.dimension_semantics<subcore_parallel>], iteration_bounds = array<i64: 2, 16>, scalar_prefetch = 0 : i64, scratch_operands = 7 : i64, tpu.core_type = #tpu.core_type<sc_vector_subcore>, window_params = [{transform_indices = #map}, {transform_indices = #map}, {transform_indices = #map1}, {transform_indices = #map1}, {transform_indices = #map}, {transform_indices = #map}, {transform_indices = #map}]} {
    %mul3A = arith.constant 632 : i32
    %mul3A_0 = arith.muli %arg1, %mul3A : i32
    %eq3A = arith.constant 0 : i32
    %eq3A_1 = arith.cmpi eq, %arg0, %eq3A : i32
    %convert_element_type3A = arith.extui %eq3A_1 : i1 to i32
    %cond3A = arith.constant 0 : i32
    %cond3A_2 = arith.cmpi ne, %convert_element_type3A, %cond3A : i32
    scf.if %cond3A_2 {
      "tpu.region"() ({
        %run_scoped3A = tpu.sem_alloc : memref<!tpu.dma_semaphore, #tpu.memory_space<semaphore_mem>>
        %dma_start3A = arith.constant 0 : i32
        %dma_start3A_24 = tpu.memref_slice %arg9[%mul3A_0, %dma_start3A] : memref<10112x64xf32, #tpu.memory_space<vmem_shared>> -> memref<632x64xf32, #tpu.memory_space<vmem_shared>>
        %dma_start3A_25 = arith.constant 0 : i32
        %dma_start3A_26 = tpu.memref_slice %arg2[%mul3A_0, %dma_start3A_25] : memref<10112x64xf32, #tpu.memory_space<hbm>> -> memref<632x64xf32, #tpu.memory_space<hbm>>
        tpu.enqueue_dma source(%dma_start3A_26 : memref<632x64xf32, #tpu.memory_space<hbm>>) target(%dma_start3A_24 : memref<632x64xf32, #tpu.memory_space<vmem_shared>>) target_semaphore(%run_scoped3A : memref<!tpu.dma_semaphore, #tpu.memory_space<semaphore_mem>>)
        %dma_wait3A = arith.constant 0 : i32
        %dma_wait3A_27 = tpu.memref_slice %arg9[%mul3A_0, %dma_wait3A] : memref<10112x64xf32, #tpu.memory_space<vmem_shared>> -> memref<632x64xf32, #tpu.memory_space<vmem_shared>>
        %dma_wait3A_28 = arith.constant 0 : i32
        %dma_wait3A_29 = tpu.memref_slice %arg2[%mul3A_0, %dma_wait3A_28] : memref<10112x64xf32, #tpu.memory_space<hbm>> -> memref<632x64xf32, #tpu.memory_space<hbm>>
        tpu.wait_dma2 semaphore(%run_scoped3A : memref<!tpu.dma_semaphore, #tpu.memory_space<semaphore_mem>>) src(%dma_wait3A_29 : memref<632x64xf32, #tpu.memory_space<hbm>>) dst(%dma_wait3A_27 : memref<632x64xf32, #tpu.memory_space<vmem_shared>>)
        tpu.yield
      }) : () -> ()
    } else {
    }
    %eq3A_3 = arith.constant 1 : i32
    %eq3A_4 = arith.cmpi eq, %arg0, %eq3A_3 : i32
    %convert_element_type3A_5 = arith.extui %eq3A_4 : i1 to i32
    %cond3A_6 = arith.constant 0 : i32
    %cond3A_7 = arith.cmpi ne, %convert_element_type3A_5, %cond3A_6 : i32
    scf.if %cond3A_7 {
      "tpu.region"() ({
        %run_scoped3A = tpu.sem_alloc : memref<!tpu.dma_semaphore, #tpu.memory_space<semaphore_mem>>
        %dma_start3A = arith.constant 0 : i32
        %dma_start3A_24 = tpu.memref_slice %arg9[%mul3A_0, %dma_start3A] : memref<10112x64xf32, #tpu.memory_space<vmem_shared>> -> memref<632x64xf32, #tpu.memory_space<vmem_shared>>
        %dma_start3A_25 = arith.constant 0 : i32
        %dma_start3A_26 = tpu.memref_slice %arg3[%mul3A_0, %dma_start3A_25] : memref<10112x64xf32, #tpu.memory_space<hbm>> -> memref<632x64xf32, #tpu.memory_space<hbm>>
        tpu.enqueue_dma source(%dma_start3A_26 : memref<632x64xf32, #tpu.memory_space<hbm>>) target(%dma_start3A_24 : memref<632x64xf32, #tpu.memory_space<vmem_shared>>) target_semaphore(%run_scoped3A : memref<!tpu.dma_semaphore, #tpu.memory_space<semaphore_mem>>)
        %dma_wait3A = arith.constant 0 : i32
        %dma_wait3A_27 = tpu.memref_slice %arg9[%mul3A_0, %dma_wait3A] : memref<10112x64xf32, #tpu.memory_space<vmem_shared>> -> memref<632x64xf32, #tpu.memory_space<vmem_shared>>
        %dma_wait3A_28 = arith.constant 0 : i32
        %dma_wait3A_29 = tpu.memref_slice %arg3[%mul3A_0, %dma_wait3A_28] : memref<10112x64xf32, #tpu.memory_space<hbm>> -> memref<632x64xf32, #tpu.memory_space<hbm>>
        tpu.wait_dma2 semaphore(%run_scoped3A : memref<!tpu.dma_semaphore, #tpu.memory_space<semaphore_mem>>) src(%dma_wait3A_29 : memref<632x64xf32, #tpu.memory_space<hbm>>) dst(%dma_wait3A_27 : memref<632x64xf32, #tpu.memory_space<vmem_shared>>)
        tpu.yield
      }) : () -> ()
    } else {
    }
    "tpu.region"() ({
      %run_scoped3A = tpu.sem_alloc : memref<!tpu.dma_semaphore, #tpu.memory_space<semaphore_mem>>
      %dma_start3A = arith.constant 0 : i32
      %dma_start3A_24 = tpu.memref_slice %arg10[%mul3A_0, %dma_start3A] : memref<10112x64xf32, #tpu.memory_space<vmem_shared>> -> memref<632x64xf32, #tpu.memory_space<vmem_shared>>
      tpu.enqueue_dma source(%arg6 : memref<632x64xf32, #tpu.memory_space<hbm>>) target(%dma_start3A_24 : memref<632x64xf32, #tpu.memory_space<vmem_shared>>) target_semaphore(%run_scoped3A : memref<!tpu.dma_semaphore, #tpu.memory_space<semaphore_mem>>)
      %dma_wait3A = arith.constant 0 : i32
      %dma_wait3A_25 = tpu.memref_slice %arg10[%mul3A_0, %dma_wait3A] : memref<10112x64xf32, #tpu.memory_space<vmem_shared>> -> memref<632x64xf32, #tpu.memory_space<vmem_shared>>
      tpu.wait_dma2 semaphore(%run_scoped3A : memref<!tpu.dma_semaphore, #tpu.memory_space<semaphore_mem>>) src(%arg6 : memref<632x64xf32, #tpu.memory_space<hbm>>) dst(%dma_wait3A_25 : memref<632x64xf32, #tpu.memory_space<vmem_shared>>)
      tpu.yield
    }) : () -> ()
    %barrier3A = arith.constant 0 : index
    tpu.barrier barrier_id(%barrier3A)
    %scan3A = arith.constant 0 : i32
    %scan3A_8 = arith.constant 0 : i32
    %scan3A_9 = arith.constant 5 : i32
    %scan3A_10 = arith.addi %scan3A_8, %scan3A_9 : i32
    %scan3A_11 = arith.constant 1 : i32
    scf.for %scan3A_24 = %scan3A_8 to %scan3A_10 step %scan3A_11  : i32 {
      %mul3A_25 = arith.constant 64 : i32
      %mul3A_26 = arith.muli %scan3A_24, %mul3A_25 : i32
      "tpu.region"() ({
        %run_scoped3A = tpu.sem_alloc : memref<!tpu.dma_semaphore, #tpu.memory_space<semaphore_mem>>
        %dma_start3A_93 = arith.constant 0 : i32
        %dma_start3A_94 = tpu.memref_slice %arg4[%arg1, %mul3A_26, %dma_start3A_93] : memref<16x320x64xi32, #tpu.memory_space<hbm>> -> memref<1x64x64xi32, #tpu.memory_space<hbm>>
        %dma_start3A_95 = tpu.memref_squeeze %dma_start3A_94 : memref<1x64x64xi32, #tpu.memory_space<hbm>> -> memref<64x64xi32, #tpu.memory_space<hbm>>
        %dma_start3A_96 = arith.constant 0 : i32
        %dma_start3A_97 = tpu.memref_slice %arg4[%arg1, %mul3A_26, %dma_start3A_96] : memref<16x320x64xi32, #tpu.memory_space<hbm>> -> memref<1x64x64xi32, #tpu.memory_space<hbm>>
        %dma_start3A_98 = tpu.memref_squeeze %dma_start3A_97 : memref<1x64x64xi32, #tpu.memory_space<hbm>> -> memref<64x64xi32, #tpu.memory_space<hbm>>
        tpu.enqueue_dma source(%dma_start3A_98 : memref<64x64xi32, #tpu.memory_space<hbm>>) target(%arg11 : memref<64x64xi32, #tpu.memory_space<vmem>>) target_semaphore(%run_scoped3A : memref<!tpu.dma_semaphore, #tpu.memory_space<semaphore_mem>>)
        %dma_wait3A_99 = arith.constant 0 : i32
        %dma_wait3A_100 = tpu.memref_slice %arg4[%arg1, %mul3A_26, %dma_wait3A_99] : memref<16x320x64xi32, #tpu.memory_space<hbm>> -> memref<1x64x64xi32, #tpu.memory_space<hbm>>
        %dma_wait3A_101 = tpu.memref_squeeze %dma_wait3A_100 : memref<1x64x64xi32, #tpu.memory_space<hbm>> -> memref<64x64xi32, #tpu.memory_space<hbm>>
        %dma_wait3A_102 = arith.constant 0 : i32
        %dma_wait3A_103 = tpu.memref_slice %arg4[%arg1, %mul3A_26, %dma_wait3A_102] : memref<16x320x64xi32, #tpu.memory_space<hbm>> -> memref<1x64x64xi32, #tpu.memory_space<hbm>>
        %dma_wait3A_104 = tpu.memref_squeeze %dma_wait3A_103 : memref<1x64x64xi32, #tpu.memory_space<hbm>> -> memref<64x64xi32, #tpu.memory_space<hbm>>
        tpu.wait_dma2 semaphore(%run_scoped3A : memref<!tpu.dma_semaphore, #tpu.memory_space<semaphore_mem>>) src(%dma_wait3A_104 : memref<64x64xi32, #tpu.memory_space<hbm>>) dst(%arg11 : memref<64x64xi32, #tpu.memory_space<vmem>>)
        tpu.yield
      }) : () -> ()
      %mul3A_27 = arith.constant 64 : i32
      %mul3A_28 = arith.muli %scan3A_24, %mul3A_27 : i32
      "tpu.region"() ({
        %run_scoped3A = tpu.sem_alloc : memref<!tpu.dma_semaphore, #tpu.memory_space<semaphore_mem>>
        %dma_start3A_93 = arith.constant 0 : i32
        %dma_start3A_94 = tpu.memref_slice %arg5[%arg1, %mul3A_28, %dma_start3A_93] : memref<16x320x64xi32, #tpu.memory_space<hbm>> -> memref<1x64x64xi32, #tpu.memory_space<hbm>>
        %dma_start3A_95 = tpu.memref_squeeze %dma_start3A_94 : memref<1x64x64xi32, #tpu.memory_space<hbm>> -> memref<64x64xi32, #tpu.memory_space<hbm>>
        %dma_start3A_96 = arith.constant 0 : i32
        %dma_start3A_97 = tpu.memref_slice %arg5[%arg1, %mul3A_28, %dma_start3A_96] : memref<16x320x64xi32, #tpu.memory_space<hbm>> -> memref<1x64x64xi32, #tpu.memory_space<hbm>>
        %dma_start3A_98 = tpu.memref_squeeze %dma_start3A_97 : memref<1x64x64xi32, #tpu.memory_space<hbm>> -> memref<64x64xi32, #tpu.memory_space<hbm>>
        tpu.enqueue_dma source(%dma_start3A_98 : memref<64x64xi32, #tpu.memory_space<hbm>>) target(%arg12 : memref<64x64xi32, #tpu.memory_space<vmem>>) target_semaphore(%run_scoped3A : memref<!tpu.dma_semaphore, #tpu.memory_space<semaphore_mem>>)
        %dma_wait3A_99 = arith.constant 0 : i32
        %dma_wait3A_100 = tpu.memref_slice %arg5[%arg1, %mul3A_28, %dma_wait3A_99] : memref<16x320x64xi32, #tpu.memory_space<hbm>> -> memref<1x64x64xi32, #tpu.memory_space<hbm>>
        %dma_wait3A_101 = tpu.memref_squeeze %dma_wait3A_100 : memref<1x64x64xi32, #tpu.memory_space<hbm>> -> memref<64x64xi32, #tpu.memory_space<hbm>>
        %dma_wait3A_102 = arith.constant 0 : i32
        %dma_wait3A_103 = tpu.memref_slice %arg5[%arg1, %mul3A_28, %dma_wait3A_102] : memref<16x320x64xi32, #tpu.memory_space<hbm>> -> memref<1x64x64xi32, #tpu.memory_space<hbm>>
        %dma_wait3A_104 = tpu.memref_squeeze %dma_wait3A_103 : memref<1x64x64xi32, #tpu.memory_space<hbm>> -> memref<64x64xi32, #tpu.memory_space<hbm>>
        tpu.wait_dma2 semaphore(%run_scoped3A : memref<!tpu.dma_semaphore, #tpu.memory_space<semaphore_mem>>) src(%dma_wait3A_104 : memref<64x64xi32, #tpu.memory_space<hbm>>) dst(%arg12 : memref<64x64xi32, #tpu.memory_space<vmem>>)
        tpu.yield
      }) : () -> ()
      %dma_start3A = arith.constant 0 : i32
      %dma_start3A_29 = arith.constant 0 : i32
      %dma_start3A_30 = arith.constant 0 : i32
      %dma_start3A_31 = arith.constant 0 : i32
      %dma_start3A_32 = tpu.memref_slice %arg13[%dma_start3A_29, %dma_start3A_30, %dma_start3A_31] : memref<5x64x64xf32, #tpu.memory_space<vmem>> -> memref<1x64x64xf32, #tpu.memory_space<vmem>>
      %dma_start3A_33 = tpu.memref_squeeze %dma_start3A_32 : memref<1x64x64xf32, #tpu.memory_space<vmem>> -> memref<64x64xf32, #tpu.memory_space<vmem>>
      %dma_start3A_34 = arith.constant 0 : i32
      %dma_start3A_35 = tpu.memref_slice %arg11[%dma_start3A, %dma_start3A_34] : memref<64x64xi32, #tpu.memory_space<vmem>> -> memref<1x64xi32, #tpu.memory_space<vmem>>
      %dma_start3A_36 = tpu.memref_squeeze %dma_start3A_35 : memref<1x64xi32, #tpu.memory_space<vmem>> -> memref<64xi32, #tpu.memory_space<vmem>>
      %dma_start3A_37 = arith.constant 0 : i32
      %dma_start3A_38 = arith.constant 0 : i32
      %dma_start3A_39 = tpu.memref_slice %arg9[%dma_start3A_37, %dma_start3A_38] : memref<10112x64xf32, #tpu.memory_space<vmem_shared>> -> memref<10112x64xf32, #tpu.memory_space<vmem_shared>>
      tpu.enqueue_indirect_dma source(%dma_start3A_39 : memref<10112x64xf32, #tpu.memory_space<vmem_shared>>) target(%dma_start3A_33 : memref<64x64xf32, #tpu.memory_space<vmem>>) offsets(%dma_start3A_36 : memref<64xi32, #tpu.memory_space<vmem>>) semaphore(%arg14 : memref<!tpu.dma_semaphore, #tpu.memory_space<semaphore_mem>>)
      %dma_start3A_40 = arith.constant 1 : i32
      %dma_start3A_41 = arith.constant 1 : i32
      %dma_start3A_42 = arith.constant 0 : i32
      %dma_start3A_43 = arith.constant 0 : i32
      %dma_start3A_44 = tpu.memref_slice %arg13[%dma_start3A_41, %dma_start3A_42, %dma_start3A_43] : memref<5x64x64xf32, #tpu.memory_space<vmem>> -> memref<1x64x64xf32, #tpu.memory_space<vmem>>
      %dma_start3A_45 = tpu.memref_squeeze %dma_start3A_44 : memref<1x64x64xf32, #tpu.memory_space<vmem>> -> memref<64x64xf32, #tpu.memory_space<vmem>>
      %dma_start3A_46 = arith.constant 0 : i32
      %dma_start3A_47 = tpu.memref_slice %arg11[%dma_start3A_40, %dma_start3A_46] : memref<64x64xi32, #tpu.memory_space<vmem>> -> memref<1x64xi32, #tpu.memory_space<vmem>>
      %dma_start3A_48 = tpu.memref_squeeze %dma_start3A_47 : memref<1x64xi32, #tpu.memory_space<vmem>> -> memref<64xi32, #tpu.memory_space<vmem>>
      %dma_start3A_49 = arith.constant 0 : i32
      %dma_start3A_50 = arith.constant 0 : i32
      %dma_start3A_51 = tpu.memref_slice %arg9[%dma_start3A_49, %dma_start3A_50] : memref<10112x64xf32, #tpu.memory_space<vmem_shared>> -> memref<10112x64xf32, #tpu.memory_space<vmem_shared>>
      tpu.enqueue_indirect_dma source(%dma_start3A_51 : memref<10112x64xf32, #tpu.memory_space<vmem_shared>>) target(%dma_start3A_45 : memref<64x64xf32, #tpu.memory_space<vmem>>) offsets(%dma_start3A_48 : memref<64xi32, #tpu.memory_space<vmem>>) semaphore(%arg14 : memref<!tpu.dma_semaphore, #tpu.memory_space<semaphore_mem>>)
      %dma_start3A_52 = arith.constant 2 : i32
      %dma_start3A_53 = arith.constant 2 : i32
      %dma_start3A_54 = arith.constant 0 : i32
      %dma_start3A_55 = arith.constant 0 : i32
      %dma_start3A_56 = tpu.memref_slice %arg13[%dma_start3A_53, %dma_start3A_54, %dma_start3A_55] : memref<5x64x64xf32, #tpu.memory_space<vmem>> -> memref<1x64x64xf32, #tpu.memory_space<vmem>>
      %dma_start3A_57 = tpu.memref_squeeze %dma_start3A_56 : memref<1x64x64xf32, #tpu.memory_space<vmem>> -> memref<64x64xf32, #tpu.memory_space<vmem>>
      %dma_start3A_58 = arith.constant 0 : i32
      %dma_start3A_59 = tpu.memref_slice %arg11[%dma_start3A_52, %dma_start3A_58] : memref<64x64xi32, #tpu.memory_space<vmem>> -> memref<1x64xi32, #tpu.memory_space<vmem>>
      %dma_start3A_60 = tpu.memref_squeeze %dma_start3A_59 : memref<1x64xi32, #tpu.memory_space<vmem>> -> memref<64xi32, #tpu.memory_space<vmem>>
      %dma_start3A_61 = arith.constant 0 : i32
      %dma_start3A_62 = arith.constant 0 : i32
      %dma_start3A_63 = tpu.memref_slice %arg9[%dma_start3A_61, %dma_start3A_62] : memref<10112x64xf32, #tpu.memory_space<vmem_shared>> -> memref<10112x64xf32, #tpu.memory_space<vmem_shared>>
      tpu.enqueue_indirect_dma source(%dma_start3A_63 : memref<10112x64xf32, #tpu.memory_space<vmem_shared>>) target(%dma_start3A_57 : memref<64x64xf32, #tpu.memory_space<vmem>>) offsets(%dma_start3A_60 : memref<64xi32, #tpu.memory_space<vmem>>) semaphore(%arg14 : memref<!tpu.dma_semaphore, #tpu.memory_space<semaphore_mem>>)
      %dma_start3A_64 = arith.constant 3 : i32
      %dma_start3A_65 = arith.constant 3 : i32
      %dma_start3A_66 = arith.constant 0 : i32
      %dma_start3A_67 = arith.constant 0 : i32
      %dma_start3A_68 = tpu.memref_slice %arg13[%dma_start3A_65, %dma_start3A_66, %dma_start3A_67] : memref<5x64x64xf32, #tpu.memory_space<vmem>> -> memref<1x64x64xf32, #tpu.memory_space<vmem>>
      %dma_start3A_69 = tpu.memref_squeeze %dma_start3A_68 : memref<1x64x64xf32, #tpu.memory_space<vmem>> -> memref<64x64xf32, #tpu.memory_space<vmem>>
      %dma_start3A_70 = arith.constant 0 : i32
      %dma_start3A_71 = tpu.memref_slice %arg11[%dma_start3A_64, %dma_start3A_70] : memref<64x64xi32, #tpu.memory_space<vmem>> -> memref<1x64xi32, #tpu.memory_space<vmem>>
      %dma_start3A_72 = tpu.memref_squeeze %dma_start3A_71 : memref<1x64xi32, #tpu.memory_space<vmem>> -> memref<64xi32, #tpu.memory_space<vmem>>
      %dma_start3A_73 = arith.constant 0 : i32
      %dma_start3A_74 = arith.constant 0 : i32
      %dma_start3A_75 = tpu.memref_slice %arg9[%dma_start3A_73, %dma_start3A_74] : memref<10112x64xf32, #tpu.memory_space<vmem_shared>> -> memref<10112x64xf32, #tpu.memory_space<vmem_shared>>
      tpu.enqueue_indirect_dma source(%dma_start3A_75 : memref<10112x64xf32, #tpu.memory_space<vmem_shared>>) target(%dma_start3A_69 : memref<64x64xf32, #tpu.memory_space<vmem>>) offsets(%dma_start3A_72 : memref<64xi32, #tpu.memory_space<vmem>>) semaphore(%arg14 : memref<!tpu.dma_semaphore, #tpu.memory_space<semaphore_mem>>)
      %scan3A_76 = arith.constant 0 : i32
      %scan3A_77 = arith.constant 0 : i32
      %scan3A_78 = arith.constant 64 : i32
      %scan3A_79 = arith.addi %scan3A_77, %scan3A_78 : i32
      %scan3A_80 = arith.constant 1 : i32
      scf.for %scan3A_93 = %scan3A_77 to %scan3A_79 step %scan3A_80  : i32 {
        %rem3A = arith.constant 5 : i32
        %rem3A_94 = arith.remsi %scan3A_93, %rem3A : i32
        %add3A = arith.constant 4 : i32
        %add3A_95 = arith.addi %scan3A_93, %add3A : i32
        %rem3A_96 = arith.constant 5 : i32
        %rem3A_97 = arith.remsi %add3A_95, %rem3A_96 : i32
        %dma_wait3A_98 = arith.constant 0 : i32
        %dma_wait3A_99 = arith.constant 0 : i32
        %dma_wait3A_100 = tpu.memref_slice %arg13[%rem3A_94, %dma_wait3A_98, %dma_wait3A_99] : memref<5x64x64xf32, #tpu.memory_space<vmem>> -> memref<1x64x64xf32, #tpu.memory_space<vmem>>
        %dma_wait3A_101 = tpu.memref_squeeze %dma_wait3A_100 : memref<1x64x64xf32, #tpu.memory_space<vmem>> -> memref<64x64xf32, #tpu.memory_space<vmem>>
        %dma_wait3A_102 = arith.constant 0 : i32
        %dma_wait3A_103 = tpu.memref_slice %arg11[%scan3A_93, %dma_wait3A_102] : memref<64x64xi32, #tpu.memory_space<vmem>> -> memref<1x64xi32, #tpu.memory_space<vmem>>
        %dma_wait3A_104 = tpu.memref_squeeze %dma_wait3A_103 : memref<1x64xi32, #tpu.memory_space<vmem>> -> memref<64xi32, #tpu.memory_space<vmem>>
        %dma_wait3A_105 = arith.constant 0 : i32
        %dma_wait3A_106 = arith.constant 0 : i32
        %dma_wait3A_107 = tpu.memref_slice %arg9[%dma_wait3A_105, %dma_wait3A_106] : memref<10112x64xf32, #tpu.memory_space<vmem_shared>> -> memref<10112x64xf32, #tpu.memory_space<vmem_shared>>
        tpu.wait_indirect_dma semaphore(%arg14 : memref<!tpu.dma_semaphore, #tpu.memory_space<semaphore_mem>>) src(%dma_wait3A_107 : memref<10112x64xf32, #tpu.memory_space<vmem_shared>>) dst(%dma_wait3A_101 : memref<64x64xf32, #tpu.memory_space<vmem>>)
        %ge3A = arith.constant 1 : i32
        %ge3A_108 = arith.cmpi sge, %scan3A_93, %ge3A : i32
        %convert_element_type3A_109 = arith.extui %ge3A_108 : i1 to i32
        %cond3A_110 = arith.constant 0 : i32
        %cond3A_111 = arith.cmpi ne, %convert_element_type3A_109, %cond3A_110 : i32
        scf.if %cond3A_111 {
          %sub3A = arith.constant 1 : i32
          %sub3A_128 = arith.subi %scan3A_93, %sub3A : i32
          %dma_wait3A_129 = arith.constant 0 : i32
          %dma_wait3A_130 = arith.constant 0 : i32
          %dma_wait3A_131 = tpu.memref_slice %arg13[%rem3A_97, %dma_wait3A_129, %dma_wait3A_130] : memref<5x64x64xf32, #tpu.memory_space<vmem>> -> memref<1x64x64xf32, #tpu.memory_space<vmem>>
          %dma_wait3A_132 = tpu.memref_squeeze %dma_wait3A_131 : memref<1x64x64xf32, #tpu.memory_space<vmem>> -> memref<64x64xf32, #tpu.memory_space<vmem>>
          %dma_wait3A_133 = arith.constant 0 : i32
          %dma_wait3A_134 = tpu.memref_slice %arg12[%sub3A_128, %dma_wait3A_133] : memref<64x64xi32, #tpu.memory_space<vmem>> -> memref<1x64xi32, #tpu.memory_space<vmem>>
          %dma_wait3A_135 = tpu.memref_squeeze %dma_wait3A_134 : memref<1x64xi32, #tpu.memory_space<vmem>> -> memref<64xi32, #tpu.memory_space<vmem>>
          %dma_wait3A_136 = arith.constant 0 : i32
          %dma_wait3A_137 = arith.constant 0 : i32
          %dma_wait3A_138 = tpu.memref_slice %arg10[%dma_wait3A_136, %dma_wait3A_137] : memref<10112x64xf32, #tpu.memory_space<vmem_shared>> -> memref<10112x64xf32, #tpu.memory_space<vmem_shared>>
          tpu.wait_indirect_dma semaphore(%arg15 : memref<!tpu.dma_semaphore, #tpu.memory_space<semaphore_mem>>) src(%dma_wait3A_132 : memref<64x64xf32, #tpu.memory_space<vmem>>) dst(%dma_wait3A_138 : memref<10112x64xf32, #tpu.memory_space<vmem_shared>>)
        } else {
        }
        %add3A_112 = arith.constant 4 : i32
        %add3A_113 = arith.addi %scan3A_93, %add3A_112 : i32
        %lt3A = arith.constant 64 : i32
        %lt3A_114 = arith.cmpi slt, %add3A_113, %lt3A : i32
        %convert_element_type3A_115 = arith.extui %lt3A_114 : i1 to i32
        %cond3A_116 = arith.constant 0 : i32
        %cond3A_117 = arith.cmpi ne, %convert_element_type3A_115, %cond3A_116 : i32
        scf.if %cond3A_117 {
          %add3A_128 = arith.constant 4 : i32
          %add3A_129 = arith.addi %scan3A_93, %add3A_128 : i32
          %dma_start3A_130 = arith.constant 0 : i32
          %dma_start3A_131 = arith.constant 0 : i32
          %dma_start3A_132 = tpu.memref_slice %arg13[%rem3A_97, %dma_start3A_130, %dma_start3A_131] : memref<5x64x64xf32, #tpu.memory_space<vmem>> -> memref<1x64x64xf32, #tpu.memory_space<vmem>>
          %dma_start3A_133 = tpu.memref_squeeze %dma_start3A_132 : memref<1x64x64xf32, #tpu.memory_space<vmem>> -> memref<64x64xf32, #tpu.memory_space<vmem>>
          %dma_start3A_134 = arith.constant 0 : i32
          %dma_start3A_135 = tpu.memref_slice %arg11[%add3A_129, %dma_start3A_134] : memref<64x64xi32, #tpu.memory_space<vmem>> -> memref<1x64xi32, #tpu.memory_space<vmem>>
          %dma_start3A_136 = tpu.memref_squeeze %dma_start3A_135 : memref<1x64xi32, #tpu.memory_space<vmem>> -> memref<64xi32, #tpu.memory_space<vmem>>
          %dma_start3A_137 = arith.constant 0 : i32
          %dma_start3A_138 = arith.constant 0 : i32
          %dma_start3A_139 = tpu.memref_slice %arg9[%dma_start3A_137, %dma_start3A_138] : memref<10112x64xf32, #tpu.memory_space<vmem_shared>> -> memref<10112x64xf32, #tpu.memory_space<vmem_shared>>
          tpu.enqueue_indirect_dma source(%dma_start3A_139 : memref<10112x64xf32, #tpu.memory_space<vmem_shared>>) target(%dma_start3A_133 : memref<64x64xf32, #tpu.memory_space<vmem>>) offsets(%dma_start3A_136 : memref<64xi32, #tpu.memory_space<vmem>>) semaphore(%arg14 : memref<!tpu.dma_semaphore, #tpu.memory_space<semaphore_mem>>)
        } else {
        }
        %dma_start3A_118 = arith.constant 0 : i32
        %dma_start3A_119 = arith.constant 0 : i32
        %dma_start3A_120 = tpu.memref_slice %arg13[%rem3A_94, %dma_start3A_118, %dma_start3A_119] : memref<5x64x64xf32, #tpu.memory_space<vmem>> -> memref<1x64x64xf32, #tpu.memory_space<vmem>>
        %dma_start3A_121 = tpu.memref_squeeze %dma_start3A_120 : memref<1x64x64xf32, #tpu.memory_space<vmem>> -> memref<64x64xf32, #tpu.memory_space<vmem>>
        %dma_start3A_122 = arith.constant 0 : i32
        %dma_start3A_123 = tpu.memref_slice %arg12[%scan3A_93, %dma_start3A_122] : memref<64x64xi32, #tpu.memory_space<vmem>> -> memref<1x64xi32, #tpu.memory_space<vmem>>
        %dma_start3A_124 = tpu.memref_squeeze %dma_start3A_123 : memref<1x64xi32, #tpu.memory_space<vmem>> -> memref<64xi32, #tpu.memory_space<vmem>>
        %dma_start3A_125 = arith.constant 0 : i32
        %dma_start3A_126 = arith.constant 0 : i32
        %dma_start3A_127 = tpu.memref_slice %arg10[%dma_start3A_125, %dma_start3A_126] : memref<10112x64xf32, #tpu.memory_space<vmem_shared>> -> memref<10112x64xf32, #tpu.memory_space<vmem_shared>>
        tpu.enqueue_indirect_dma source(%dma_start3A_121 : memref<64x64xf32, #tpu.memory_space<vmem>>) target(%dma_start3A_127 : memref<10112x64xf32, #tpu.memory_space<vmem_shared>>) offsets(%dma_start3A_124 : memref<64xi32, #tpu.memory_space<vmem>>) semaphore(%arg15 : memref<!tpu.dma_semaphore, #tpu.memory_space<semaphore_mem>>) {add = true}
      }
      %scan3A_81 = arith.constant 64 : i32
      %dma_wait3A = arith.constant 3 : i32
      %dma_wait3A_82 = arith.constant 63 : i32
      %dma_wait3A_83 = arith.constant 0 : i32
      %dma_wait3A_84 = arith.constant 0 : i32
      %dma_wait3A_85 = tpu.memref_slice %arg13[%dma_wait3A, %dma_wait3A_83, %dma_wait3A_84] : memref<5x64x64xf32, #tpu.memory_space<vmem>> -> memref<1x64x64xf32, #tpu.memory_space<vmem>>
      %dma_wait3A_86 = tpu.memref_squeeze %dma_wait3A_85 : memref<1x64x64xf32, #tpu.memory_space<vmem>> -> memref<64x64xf32, #tpu.memory_space<vmem>>
      %dma_wait3A_87 = arith.constant 0 : i32
      %dma_wait3A_88 = tpu.memref_slice %arg12[%dma_wait3A_82, %dma_wait3A_87] : memref<64x64xi32, #tpu.memory_space<vmem>> -> memref<1x64xi32, #tpu.memory_space<vmem>>
      %dma_wait3A_89 = tpu.memref_squeeze %dma_wait3A_88 : memref<1x64xi32, #tpu.memory_space<vmem>> -> memref<64xi32, #tpu.memory_space<vmem>>
      %dma_wait3A_90 = arith.constant 0 : i32
      %dma_wait3A_91 = arith.constant 0 : i32
      %dma_wait3A_92 = tpu.memref_slice %arg10[%dma_wait3A_90, %dma_wait3A_91] : memref<10112x64xf32, #tpu.memory_space<vmem_shared>> -> memref<10112x64xf32, #tpu.memory_space<vmem_shared>>
      tpu.wait_indirect_dma semaphore(%arg15 : memref<!tpu.dma_semaphore, #tpu.memory_space<semaphore_mem>>) src(%dma_wait3A_86 : memref<64x64xf32, #tpu.memory_space<vmem>>) dst(%dma_wait3A_92 : memref<10112x64xf32, #tpu.memory_space<vmem_shared>>)
    }
    %scan3A_12 = arith.constant 5 : i32
    %barrier3A_13 = arith.constant 0 : index
    tpu.barrier barrier_id(%barrier3A_13)
    %eq3A_14 = arith.constant 0 : i32
    %eq3A_15 = arith.cmpi eq, %arg0, %eq3A_14 : i32
    %convert_element_type3A_16 = arith.extui %eq3A_15 : i1 to i32
    %cond3A_17 = arith.constant 0 : i32
    %cond3A_18 = arith.cmpi ne, %convert_element_type3A_16, %cond3A_17 : i32
    scf.if %cond3A_18 {
      "tpu.region"() ({
        %run_scoped3A = tpu.sem_alloc : memref<!tpu.dma_semaphore, #tpu.memory_space<semaphore_mem>>
        %dma_start3A = arith.constant 0 : i32
        %dma_start3A_24 = tpu.memref_slice %arg7[%mul3A_0, %dma_start3A] : memref<10112x64xf32, #tpu.memory_space<hbm>> -> memref<632x64xf32, #tpu.memory_space<hbm>>
        %dma_start3A_25 = arith.constant 0 : i32
        %dma_start3A_26 = tpu.memref_slice %arg10[%mul3A_0, %dma_start3A_25] : memref<10112x64xf32, #tpu.memory_space<vmem_shared>> -> memref<632x64xf32, #tpu.memory_space<vmem_shared>>
        tpu.enqueue_dma source(%dma_start3A_26 : memref<632x64xf32, #tpu.memory_space<vmem_shared>>) target(%dma_start3A_24 : memref<632x64xf32, #tpu.memory_space<hbm>>) target_semaphore(%run_scoped3A : memref<!tpu.dma_semaphore, #tpu.memory_space<semaphore_mem>>)
        %dma_wait3A = arith.constant 0 : i32
        %dma_wait3A_27 = tpu.memref_slice %arg7[%mul3A_0, %dma_wait3A] : memref<10112x64xf32, #tpu.memory_space<hbm>> -> memref<632x64xf32, #tpu.memory_space<hbm>>
        %dma_wait3A_28 = arith.constant 0 : i32
        %dma_wait3A_29 = tpu.memref_slice %arg10[%mul3A_0, %dma_wait3A_28] : memref<10112x64xf32, #tpu.memory_space<vmem_shared>> -> memref<632x64xf32, #tpu.memory_space<vmem_shared>>
        tpu.wait_dma2 semaphore(%run_scoped3A : memref<!tpu.dma_semaphore, #tpu.memory_space<semaphore_mem>>) src(%dma_wait3A_29 : memref<632x64xf32, #tpu.memory_space<vmem_shared>>) dst(%dma_wait3A_27 : memref<632x64xf32, #tpu.memory_space<hbm>>)
        tpu.yield
      }) : () -> ()
    } else {
    }
    %eq3A_19 = arith.constant 1 : i32
    %eq3A_20 = arith.cmpi eq, %arg0, %eq3A_19 : i32
    %convert_element_type3A_21 = arith.extui %eq3A_20 : i1 to i32
    %cond3A_22 = arith.constant 0 : i32
    %cond3A_23 = arith.cmpi ne, %convert_element_type3A_21, %cond3A_22 : i32
    scf.if %cond3A_23 {
      "tpu.region"() ({
        %run_scoped3A = tpu.sem_alloc : memref<!tpu.dma_semaphore, #tpu.memory_space<semaphore_mem>>
        %dma_start3A = arith.constant 0 : i32
        %dma_start3A_24 = tpu.memref_slice %arg8[%mul3A_0, %dma_start3A] : memref<10112x64xf32, #tpu.memory_space<hbm>> -> memref<632x64xf32, #tpu.memory_space<hbm>>
        %dma_start3A_25 = arith.constant 0 : i32
        %dma_start3A_26 = tpu.memref_slice %arg10[%mul3A_0, %dma_start3A_25] : memref<10112x64xf32, #tpu.memory_space<vmem_shared>> -> memref<632x64xf32, #tpu.memory_space<vmem_shared>>
        tpu.enqueue_dma source(%dma_start3A_26 : memref<632x64xf32, #tpu.memory_space<vmem_shared>>) target(%dma_start3A_24 : memref<632x64xf32, #tpu.memory_space<hbm>>) target_semaphore(%run_scoped3A : memref<!tpu.dma_semaphore, #tpu.memory_space<semaphore_mem>>)
        %dma_wait3A = arith.constant 0 : i32
        %dma_wait3A_27 = tpu.memref_slice %arg8[%mul3A_0, %dma_wait3A] : memref<10112x64xf32, #tpu.memory_space<hbm>> -> memref<632x64xf32, #tpu.memory_space<hbm>>
        %dma_wait3A_28 = arith.constant 0 : i32
        %dma_wait3A_29 = tpu.memref_slice %arg10[%mul3A_0, %dma_wait3A_28] : memref<10112x64xf32, #tpu.memory_space<vmem_shared>> -> memref<632x64xf32, #tpu.memory_space<vmem_shared>>
        tpu.wait_dma2 semaphore(%run_scoped3A : memref<!tpu.dma_semaphore, #tpu.memory_space<semaphore_mem>>) src(%dma_wait3A_29 : memref<632x64xf32, #tpu.memory_space<vmem_shared>>) dst(%dma_wait3A_27 : memref<632x64xf32, #tpu.memory_space<hbm>>)
        tpu.yield
      }) : () -> ()
    } else {
    }
    return
  }
}

#map = affine_map<(d0, d1) -> (0, 0)>
#map1 = affine_map<(d0, d1) -> (0, 0, 0)>
module attributes {stable_mosaic.version = 14 : i64} {
  func.func @body(%arg0: i32, %arg1: i32, %arg2: memref<10112x32xf32, #tpu.memory_space<hbm>>, %arg3: memref<10112x32xf32, #tpu.memory_space<hbm>>, %arg4: memref<16x320x64xi32, #tpu.memory_space<hbm>>, %arg5: memref<16x320x64xi32, #tpu.memory_space<hbm>>, %arg6: memref<632x32xf32, #tpu.memory_space<hbm>>, %arg7: memref<10112x32xf32, #tpu.memory_space<hbm>>, %arg8: memref<10112x32xf32, #tpu.memory_space<hbm>>, %arg9: memref<10112x32xf32, #tpu.memory_space<vmem_shared>>, %arg10: memref<10112x32xf32, #tpu.memory_space<vmem_shared>>, %arg11: memref<64x64xi32, #tpu.memory_space<vmem>>, %arg12: memref<64x64xi32, #tpu.memory_space<vmem>>, %arg13: memref<5x64x32xf32, #tpu.memory_space<vmem>>, %arg14: memref<!tpu.dma_semaphore, #tpu.memory_space<semaphore_mem>>, %arg15: memref<!tpu.dma_semaphore, #tpu.memory_space<semaphore_mem>>) attributes {dimension_semantics = [#tpu.dimension_semantics<core_parallel>, #tpu.dimension_semantics<subcore_parallel>], iteration_bounds = array<i64: 2, 16>, scalar_prefetch = 0 : i64, scratch_operands = 7 : i64, tpu.core_type = #tpu.core_type<sc_vector_subcore>, window_params = [{transform_indices = #map}, {transform_indices = #map}, {transform_indices = #map1}, {transform_indices = #map1}, {transform_indices = #map}, {transform_indices = #map}, {transform_indices = #map}]} {
    %mul3A = arith.constant 632 : i32
    %mul3A_0 = arith.muli %arg1, %mul3A : i32
    %eq3A = arith.constant 0 : i32
    %eq3A_1 = arith.cmpi eq, %arg0, %eq3A : i32
    %convert_element_type3A = arith.extui %eq3A_1 : i1 to i32
    %cond3A = arith.constant 0 : i32
    %cond3A_2 = arith.cmpi ne, %convert_element_type3A, %cond3A : i32
    scf.if %cond3A_2 {
      "tpu.region"() ({
        %run_scoped3A = tpu.sem_alloc : memref<!tpu.dma_semaphore, #tpu.memory_space<semaphore_mem>>
        %dma_start3A = arith.constant 0 : i32
        %dma_start3A_24 = tpu.memref_slice %arg9[%mul3A_0, %dma_start3A] : memref<10112x32xf32, #tpu.memory_space<vmem_shared>> -> memref<632x32xf32, #tpu.memory_space<vmem_shared>>
        %dma_start3A_25 = arith.constant 0 : i32
        %dma_start3A_26 = tpu.memref_slice %arg2[%mul3A_0, %dma_start3A_25] : memref<10112x32xf32, #tpu.memory_space<hbm>> -> memref<632x32xf32, #tpu.memory_space<hbm>>
        tpu.enqueue_dma source(%dma_start3A_26 : memref<632x32xf32, #tpu.memory_space<hbm>>) target(%dma_start3A_24 : memref<632x32xf32, #tpu.memory_space<vmem_shared>>) target_semaphore(%run_scoped3A : memref<!tpu.dma_semaphore, #tpu.memory_space<semaphore_mem>>)
        %dma_wait3A = arith.constant 0 : i32
        %dma_wait3A_27 = tpu.memref_slice %arg9[%mul3A_0, %dma_wait3A] : memref<10112x32xf32, #tpu.memory_space<vmem_shared>> -> memref<632x32xf32, #tpu.memory_space<vmem_shared>>
        %dma_wait3A_28 = arith.constant 0 : i32
        %dma_wait3A_29 = tpu.memref_slice %arg2[%mul3A_0, %dma_wait3A_28] : memref<10112x32xf32, #tpu.memory_space<hbm>> -> memref<632x32xf32, #tpu.memory_space<hbm>>
        tpu.wait_dma2 semaphore(%run_scoped3A : memref<!tpu.dma_semaphore, #tpu.memory_space<semaphore_mem>>) src(%dma_wait3A_29 : memref<632x32xf32, #tpu.memory_space<hbm>>) dst(%dma_wait3A_27 : memref<632x32xf32, #tpu.memory_space<vmem_shared>>)
        tpu.yield
      }) : () -> ()
    } else {
    }
    %eq3A_3 = arith.constant 1 : i32
    %eq3A_4 = arith.cmpi eq, %arg0, %eq3A_3 : i32
    %convert_element_type3A_5 = arith.extui %eq3A_4 : i1 to i32
    %cond3A_6 = arith.constant 0 : i32
    %cond3A_7 = arith.cmpi ne, %convert_element_type3A_5, %cond3A_6 : i32
    scf.if %cond3A_7 {
      "tpu.region"() ({
        %run_scoped3A = tpu.sem_alloc : memref<!tpu.dma_semaphore, #tpu.memory_space<semaphore_mem>>
        %dma_start3A = arith.constant 0 : i32
        %dma_start3A_24 = tpu.memref_slice %arg9[%mul3A_0, %dma_start3A] : memref<10112x32xf32, #tpu.memory_space<vmem_shared>> -> memref<632x32xf32, #tpu.memory_space<vmem_shared>>
        %dma_start3A_25 = arith.constant 0 : i32
        %dma_start3A_26 = tpu.memref_slice %arg3[%mul3A_0, %dma_start3A_25] : memref<10112x32xf32, #tpu.memory_space<hbm>> -> memref<632x32xf32, #tpu.memory_space<hbm>>
        tpu.enqueue_dma source(%dma_start3A_26 : memref<632x32xf32, #tpu.memory_space<hbm>>) target(%dma_start3A_24 : memref<632x32xf32, #tpu.memory_space<vmem_shared>>) target_semaphore(%run_scoped3A : memref<!tpu.dma_semaphore, #tpu.memory_space<semaphore_mem>>)
        %dma_wait3A = arith.constant 0 : i32
        %dma_wait3A_27 = tpu.memref_slice %arg9[%mul3A_0, %dma_wait3A] : memref<10112x32xf32, #tpu.memory_space<vmem_shared>> -> memref<632x32xf32, #tpu.memory_space<vmem_shared>>
        %dma_wait3A_28 = arith.constant 0 : i32
        %dma_wait3A_29 = tpu.memref_slice %arg3[%mul3A_0, %dma_wait3A_28] : memref<10112x32xf32, #tpu.memory_space<hbm>> -> memref<632x32xf32, #tpu.memory_space<hbm>>
        tpu.wait_dma2 semaphore(%run_scoped3A : memref<!tpu.dma_semaphore, #tpu.memory_space<semaphore_mem>>) src(%dma_wait3A_29 : memref<632x32xf32, #tpu.memory_space<hbm>>) dst(%dma_wait3A_27 : memref<632x32xf32, #tpu.memory_space<vmem_shared>>)
        tpu.yield
      }) : () -> ()
    } else {
    }
    "tpu.region"() ({
      %run_scoped3A = tpu.sem_alloc : memref<!tpu.dma_semaphore, #tpu.memory_space<semaphore_mem>>
      %dma_start3A = arith.constant 0 : i32
      %dma_start3A_24 = tpu.memref_slice %arg10[%mul3A_0, %dma_start3A] : memref<10112x32xf32, #tpu.memory_space<vmem_shared>> -> memref<632x32xf32, #tpu.memory_space<vmem_shared>>
      tpu.enqueue_dma source(%arg6 : memref<632x32xf32, #tpu.memory_space<hbm>>) target(%dma_start3A_24 : memref<632x32xf32, #tpu.memory_space<vmem_shared>>) target_semaphore(%run_scoped3A : memref<!tpu.dma_semaphore, #tpu.memory_space<semaphore_mem>>)
      %dma_wait3A = arith.constant 0 : i32
      %dma_wait3A_25 = tpu.memref_slice %arg10[%mul3A_0, %dma_wait3A] : memref<10112x32xf32, #tpu.memory_space<vmem_shared>> -> memref<632x32xf32, #tpu.memory_space<vmem_shared>>
      tpu.wait_dma2 semaphore(%run_scoped3A : memref<!tpu.dma_semaphore, #tpu.memory_space<semaphore_mem>>) src(%arg6 : memref<632x32xf32, #tpu.memory_space<hbm>>) dst(%dma_wait3A_25 : memref<632x32xf32, #tpu.memory_space<vmem_shared>>)
      tpu.yield
    }) : () -> ()
    %barrier3A = arith.constant 0 : index
    tpu.barrier barrier_id(%barrier3A)
    %scan3A = arith.constant 0 : i32
    %scan3A_8 = arith.constant 0 : i32
    %scan3A_9 = arith.constant 5 : i32
    %scan3A_10 = arith.addi %scan3A_8, %scan3A_9 : i32
    %scan3A_11 = arith.constant 1 : i32
    scf.for %scan3A_24 = %scan3A_8 to %scan3A_10 step %scan3A_11  : i32 {
      %mul3A_25 = arith.constant 64 : i32
      %mul3A_26 = arith.muli %scan3A_24, %mul3A_25 : i32
      "tpu.region"() ({
        %run_scoped3A = tpu.sem_alloc : memref<!tpu.dma_semaphore, #tpu.memory_space<semaphore_mem>>
        %dma_start3A_93 = arith.constant 0 : i32
        %dma_start3A_94 = tpu.memref_slice %arg4[%arg1, %mul3A_26, %dma_start3A_93] : memref<16x320x64xi32, #tpu.memory_space<hbm>> -> memref<1x64x64xi32, #tpu.memory_space<hbm>>
        %dma_start3A_95 = tpu.memref_squeeze %dma_start3A_94 : memref<1x64x64xi32, #tpu.memory_space<hbm>> -> memref<64x64xi32, #tpu.memory_space<hbm>>
        %dma_start3A_96 = arith.constant 0 : i32
        %dma_start3A_97 = tpu.memref_slice %arg4[%arg1, %mul3A_26, %dma_start3A_96] : memref<16x320x64xi32, #tpu.memory_space<hbm>> -> memref<1x64x64xi32, #tpu.memory_space<hbm>>
        %dma_start3A_98 = tpu.memref_squeeze %dma_start3A_97 : memref<1x64x64xi32, #tpu.memory_space<hbm>> -> memref<64x64xi32, #tpu.memory_space<hbm>>
        tpu.enqueue_dma source(%dma_start3A_98 : memref<64x64xi32, #tpu.memory_space<hbm>>) target(%arg11 : memref<64x64xi32, #tpu.memory_space<vmem>>) target_semaphore(%run_scoped3A : memref<!tpu.dma_semaphore, #tpu.memory_space<semaphore_mem>>)
        %dma_wait3A_99 = arith.constant 0 : i32
        %dma_wait3A_100 = tpu.memref_slice %arg4[%arg1, %mul3A_26, %dma_wait3A_99] : memref<16x320x64xi32, #tpu.memory_space<hbm>> -> memref<1x64x64xi32, #tpu.memory_space<hbm>>
        %dma_wait3A_101 = tpu.memref_squeeze %dma_wait3A_100 : memref<1x64x64xi32, #tpu.memory_space<hbm>> -> memref<64x64xi32, #tpu.memory_space<hbm>>
        %dma_wait3A_102 = arith.constant 0 : i32
        %dma_wait3A_103 = tpu.memref_slice %arg4[%arg1, %mul3A_26, %dma_wait3A_102] : memref<16x320x64xi32, #tpu.memory_space<hbm>> -> memref<1x64x64xi32, #tpu.memory_space<hbm>>
        %dma_wait3A_104 = tpu.memref_squeeze %dma_wait3A_103 : memref<1x64x64xi32, #tpu.memory_space<hbm>> -> memref<64x64xi32, #tpu.memory_space<hbm>>
        tpu.wait_dma2 semaphore(%run_scoped3A : memref<!tpu.dma_semaphore, #tpu.memory_space<semaphore_mem>>) src(%dma_wait3A_104 : memref<64x64xi32, #tpu.memory_space<hbm>>) dst(%arg11 : memref<64x64xi32, #tpu.memory_space<vmem>>)
        tpu.yield
      }) : () -> ()
      %mul3A_27 = arith.constant 64 : i32
      %mul3A_28 = arith.muli %scan3A_24, %mul3A_27 : i32
      "tpu.region"() ({
        %run_scoped3A = tpu.sem_alloc : memref<!tpu.dma_semaphore, #tpu.memory_space<semaphore_mem>>
        %dma_start3A_93 = arith.constant 0 : i32
        %dma_start3A_94 = tpu.memref_slice %arg5[%arg1, %mul3A_28, %dma_start3A_93] : memref<16x320x64xi32, #tpu.memory_space<hbm>> -> memref<1x64x64xi32, #tpu.memory_space<hbm>>
        %dma_start3A_95 = tpu.memref_squeeze %dma_start3A_94 : memref<1x64x64xi32, #tpu.memory_space<hbm>> -> memref<64x64xi32, #tpu.memory_space<hbm>>
        %dma_start3A_96 = arith.constant 0 : i32
        %dma_start3A_97 = tpu.memref_slice %arg5[%arg1, %mul3A_28, %dma_start3A_96] : memref<16x320x64xi32, #tpu.memory_space<hbm>> -> memref<1x64x64xi32, #tpu.memory_space<hbm>>
        %dma_start3A_98 = tpu.memref_squeeze %dma_start3A_97 : memref<1x64x64xi32, #tpu.memory_space<hbm>> -> memref<64x64xi32, #tpu.memory_space<hbm>>
        tpu.enqueue_dma source(%dma_start3A_98 : memref<64x64xi32, #tpu.memory_space<hbm>>) target(%arg12 : memref<64x64xi32, #tpu.memory_space<vmem>>) target_semaphore(%run_scoped3A : memref<!tpu.dma_semaphore, #tpu.memory_space<semaphore_mem>>)
        %dma_wait3A_99 = arith.constant 0 : i32
        %dma_wait3A_100 = tpu.memref_slice %arg5[%arg1, %mul3A_28, %dma_wait3A_99] : memref<16x320x64xi32, #tpu.memory_space<hbm>> -> memref<1x64x64xi32, #tpu.memory_space<hbm>>
        %dma_wait3A_101 = tpu.memref_squeeze %dma_wait3A_100 : memref<1x64x64xi32, #tpu.memory_space<hbm>> -> memref<64x64xi32, #tpu.memory_space<hbm>>
        %dma_wait3A_102 = arith.constant 0 : i32
        %dma_wait3A_103 = tpu.memref_slice %arg5[%arg1, %mul3A_28, %dma_wait3A_102] : memref<16x320x64xi32, #tpu.memory_space<hbm>> -> memref<1x64x64xi32, #tpu.memory_space<hbm>>
        %dma_wait3A_104 = tpu.memref_squeeze %dma_wait3A_103 : memref<1x64x64xi32, #tpu.memory_space<hbm>> -> memref<64x64xi32, #tpu.memory_space<hbm>>
        tpu.wait_dma2 semaphore(%run_scoped3A : memref<!tpu.dma_semaphore, #tpu.memory_space<semaphore_mem>>) src(%dma_wait3A_104 : memref<64x64xi32, #tpu.memory_space<hbm>>) dst(%arg12 : memref<64x64xi32, #tpu.memory_space<vmem>>)
        tpu.yield
      }) : () -> ()
      %dma_start3A = arith.constant 0 : i32
      %dma_start3A_29 = arith.constant 0 : i32
      %dma_start3A_30 = arith.constant 0 : i32
      %dma_start3A_31 = arith.constant 0 : i32
      %dma_start3A_32 = tpu.memref_slice %arg13[%dma_start3A_29, %dma_start3A_30, %dma_start3A_31] : memref<5x64x32xf32, #tpu.memory_space<vmem>> -> memref<1x64x32xf32, #tpu.memory_space<vmem>>
      %dma_start3A_33 = tpu.memref_squeeze %dma_start3A_32 : memref<1x64x32xf32, #tpu.memory_space<vmem>> -> memref<64x32xf32, #tpu.memory_space<vmem>>
      %dma_start3A_34 = arith.constant 0 : i32
      %dma_start3A_35 = tpu.memref_slice %arg11[%dma_start3A, %dma_start3A_34] : memref<64x64xi32, #tpu.memory_space<vmem>> -> memref<1x64xi32, #tpu.memory_space<vmem>>
      %dma_start3A_36 = tpu.memref_squeeze %dma_start3A_35 : memref<1x64xi32, #tpu.memory_space<vmem>> -> memref<64xi32, #tpu.memory_space<vmem>>
      %dma_start3A_37 = arith.constant 0 : i32
      %dma_start3A_38 = arith.constant 0 : i32
      %dma_start3A_39 = tpu.memref_slice %arg9[%dma_start3A_37, %dma_start3A_38] : memref<10112x32xf32, #tpu.memory_space<vmem_shared>> -> memref<10112x32xf32, #tpu.memory_space<vmem_shared>>
      tpu.enqueue_indirect_dma source(%dma_start3A_39 : memref<10112x32xf32, #tpu.memory_space<vmem_shared>>) target(%dma_start3A_33 : memref<64x32xf32, #tpu.memory_space<vmem>>) offsets(%dma_start3A_36 : memref<64xi32, #tpu.memory_space<vmem>>) semaphore(%arg14 : memref<!tpu.dma_semaphore, #tpu.memory_space<semaphore_mem>>)
      %dma_start3A_40 = arith.constant 1 : i32
      %dma_start3A_41 = arith.constant 1 : i32
      %dma_start3A_42 = arith.constant 0 : i32
      %dma_start3A_43 = arith.constant 0 : i32
      %dma_start3A_44 = tpu.memref_slice %arg13[%dma_start3A_41, %dma_start3A_42, %dma_start3A_43] : memref<5x64x32xf32, #tpu.memory_space<vmem>> -> memref<1x64x32xf32, #tpu.memory_space<vmem>>
      %dma_start3A_45 = tpu.memref_squeeze %dma_start3A_44 : memref<1x64x32xf32, #tpu.memory_space<vmem>> -> memref<64x32xf32, #tpu.memory_space<vmem>>
      %dma_start3A_46 = arith.constant 0 : i32
      %dma_start3A_47 = tpu.memref_slice %arg11[%dma_start3A_40, %dma_start3A_46] : memref<64x64xi32, #tpu.memory_space<vmem>> -> memref<1x64xi32, #tpu.memory_space<vmem>>
      %dma_start3A_48 = tpu.memref_squeeze %dma_start3A_47 : memref<1x64xi32, #tpu.memory_space<vmem>> -> memref<64xi32, #tpu.memory_space<vmem>>
      %dma_start3A_49 = arith.constant 0 : i32
      %dma_start3A_50 = arith.constant 0 : i32
      %dma_start3A_51 = tpu.memref_slice %arg9[%dma_start3A_49, %dma_start3A_50] : memref<10112x32xf32, #tpu.memory_space<vmem_shared>> -> memref<10112x32xf32, #tpu.memory_space<vmem_shared>>
      tpu.enqueue_indirect_dma source(%dma_start3A_51 : memref<10112x32xf32, #tpu.memory_space<vmem_shared>>) target(%dma_start3A_45 : memref<64x32xf32, #tpu.memory_space<vmem>>) offsets(%dma_start3A_48 : memref<64xi32, #tpu.memory_space<vmem>>) semaphore(%arg14 : memref<!tpu.dma_semaphore, #tpu.memory_space<semaphore_mem>>)
      %dma_start3A_52 = arith.constant 2 : i32
      %dma_start3A_53 = arith.constant 2 : i32
      %dma_start3A_54 = arith.constant 0 : i32
      %dma_start3A_55 = arith.constant 0 : i32
      %dma_start3A_56 = tpu.memref_slice %arg13[%dma_start3A_53, %dma_start3A_54, %dma_start3A_55] : memref<5x64x32xf32, #tpu.memory_space<vmem>> -> memref<1x64x32xf32, #tpu.memory_space<vmem>>
      %dma_start3A_57 = tpu.memref_squeeze %dma_start3A_56 : memref<1x64x32xf32, #tpu.memory_space<vmem>> -> memref<64x32xf32, #tpu.memory_space<vmem>>
      %dma_start3A_58 = arith.constant 0 : i32
      %dma_start3A_59 = tpu.memref_slice %arg11[%dma_start3A_52, %dma_start3A_58] : memref<64x64xi32, #tpu.memory_space<vmem>> -> memref<1x64xi32, #tpu.memory_space<vmem>>
      %dma_start3A_60 = tpu.memref_squeeze %dma_start3A_59 : memref<1x64xi32, #tpu.memory_space<vmem>> -> memref<64xi32, #tpu.memory_space<vmem>>
      %dma_start3A_61 = arith.constant 0 : i32
      %dma_start3A_62 = arith.constant 0 : i32
      %dma_start3A_63 = tpu.memref_slice %arg9[%dma_start3A_61, %dma_start3A_62] : memref<10112x32xf32, #tpu.memory_space<vmem_shared>> -> memref<10112x32xf32, #tpu.memory_space<vmem_shared>>
      tpu.enqueue_indirect_dma source(%dma_start3A_63 : memref<10112x32xf32, #tpu.memory_space<vmem_shared>>) target(%dma_start3A_57 : memref<64x32xf32, #tpu.memory_space<vmem>>) offsets(%dma_start3A_60 : memref<64xi32, #tpu.memory_space<vmem>>) semaphore(%arg14 : memref<!tpu.dma_semaphore, #tpu.memory_space<semaphore_mem>>)
      %dma_start3A_64 = arith.constant 3 : i32
      %dma_start3A_65 = arith.constant 3 : i32
      %dma_start3A_66 = arith.constant 0 : i32
      %dma_start3A_67 = arith.constant 0 : i32
      %dma_start3A_68 = tpu.memref_slice %arg13[%dma_start3A_65, %dma_start3A_66, %dma_start3A_67] : memref<5x64x32xf32, #tpu.memory_space<vmem>> -> memref<1x64x32xf32, #tpu.memory_space<vmem>>
      %dma_start3A_69 = tpu.memref_squeeze %dma_start3A_68 : memref<1x64x32xf32, #tpu.memory_space<vmem>> -> memref<64x32xf32, #tpu.memory_space<vmem>>
      %dma_start3A_70 = arith.constant 0 : i32
      %dma_start3A_71 = tpu.memref_slice %arg11[%dma_start3A_64, %dma_start3A_70] : memref<64x64xi32, #tpu.memory_space<vmem>> -> memref<1x64xi32, #tpu.memory_space<vmem>>
      %dma_start3A_72 = tpu.memref_squeeze %dma_start3A_71 : memref<1x64xi32, #tpu.memory_space<vmem>> -> memref<64xi32, #tpu.memory_space<vmem>>
      %dma_start3A_73 = arith.constant 0 : i32
      %dma_start3A_74 = arith.constant 0 : i32
      %dma_start3A_75 = tpu.memref_slice %arg9[%dma_start3A_73, %dma_start3A_74] : memref<10112x32xf32, #tpu.memory_space<vmem_shared>> -> memref<10112x32xf32, #tpu.memory_space<vmem_shared>>
      tpu.enqueue_indirect_dma source(%dma_start3A_75 : memref<10112x32xf32, #tpu.memory_space<vmem_shared>>) target(%dma_start3A_69 : memref<64x32xf32, #tpu.memory_space<vmem>>) offsets(%dma_start3A_72 : memref<64xi32, #tpu.memory_space<vmem>>) semaphore(%arg14 : memref<!tpu.dma_semaphore, #tpu.memory_space<semaphore_mem>>)
      %scan3A_76 = arith.constant 0 : i32
      %scan3A_77 = arith.constant 0 : i32
      %scan3A_78 = arith.constant 64 : i32
      %scan3A_79 = arith.addi %scan3A_77, %scan3A_78 : i32
      %scan3A_80 = arith.constant 1 : i32
      scf.for %scan3A_93 = %scan3A_77 to %scan3A_79 step %scan3A_80  : i32 {
        %rem3A = arith.constant 5 : i32
        %rem3A_94 = arith.remsi %scan3A_93, %rem3A : i32
        %add3A = arith.constant 4 : i32
        %add3A_95 = arith.addi %scan3A_93, %add3A : i32
        %rem3A_96 = arith.constant 5 : i32
        %rem3A_97 = arith.remsi %add3A_95, %rem3A_96 : i32
        %dma_wait3A_98 = arith.constant 0 : i32
        %dma_wait3A_99 = arith.constant 0 : i32
        %dma_wait3A_100 = tpu.memref_slice %arg13[%rem3A_94, %dma_wait3A_98, %dma_wait3A_99] : memref<5x64x32xf32, #tpu.memory_space<vmem>> -> memref<1x64x32xf32, #tpu.memory_space<vmem>>
        %dma_wait3A_101 = tpu.memref_squeeze %dma_wait3A_100 : memref<1x64x32xf32, #tpu.memory_space<vmem>> -> memref<64x32xf32, #tpu.memory_space<vmem>>
        %dma_wait3A_102 = arith.constant 0 : i32
        %dma_wait3A_103 = tpu.memref_slice %arg11[%scan3A_93, %dma_wait3A_102] : memref<64x64xi32, #tpu.memory_space<vmem>> -> memref<1x64xi32, #tpu.memory_space<vmem>>
        %dma_wait3A_104 = tpu.memref_squeeze %dma_wait3A_103 : memref<1x64xi32, #tpu.memory_space<vmem>> -> memref<64xi32, #tpu.memory_space<vmem>>
        %dma_wait3A_105 = arith.constant 0 : i32
        %dma_wait3A_106 = arith.constant 0 : i32
        %dma_wait3A_107 = tpu.memref_slice %arg9[%dma_wait3A_105, %dma_wait3A_106] : memref<10112x32xf32, #tpu.memory_space<vmem_shared>> -> memref<10112x32xf32, #tpu.memory_space<vmem_shared>>
        tpu.wait_indirect_dma semaphore(%arg14 : memref<!tpu.dma_semaphore, #tpu.memory_space<semaphore_mem>>) src(%dma_wait3A_107 : memref<10112x32xf32, #tpu.memory_space<vmem_shared>>) dst(%dma_wait3A_101 : memref<64x32xf32, #tpu.memory_space<vmem>>)
        %ge3A = arith.constant 1 : i32
        %ge3A_108 = arith.cmpi sge, %scan3A_93, %ge3A : i32
        %convert_element_type3A_109 = arith.extui %ge3A_108 : i1 to i32
        %cond3A_110 = arith.constant 0 : i32
        %cond3A_111 = arith.cmpi ne, %convert_element_type3A_109, %cond3A_110 : i32
        scf.if %cond3A_111 {
          %sub3A = arith.constant 1 : i32
          %sub3A_128 = arith.subi %scan3A_93, %sub3A : i32
          %dma_wait3A_129 = arith.constant 0 : i32
          %dma_wait3A_130 = arith.constant 0 : i32
          %dma_wait3A_131 = tpu.memref_slice %arg13[%rem3A_97, %dma_wait3A_129, %dma_wait3A_130] : memref<5x64x32xf32, #tpu.memory_space<vmem>> -> memref<1x64x32xf32, #tpu.memory_space<vmem>>
          %dma_wait3A_132 = tpu.memref_squeeze %dma_wait3A_131 : memref<1x64x32xf32, #tpu.memory_space<vmem>> -> memref<64x32xf32, #tpu.memory_space<vmem>>
          %dma_wait3A_133 = arith.constant 0 : i32
          %dma_wait3A_134 = tpu.memref_slice %arg12[%sub3A_128, %dma_wait3A_133] : memref<64x64xi32, #tpu.memory_space<vmem>> -> memref<1x64xi32, #tpu.memory_space<vmem>>
          %dma_wait3A_135 = tpu.memref_squeeze %dma_wait3A_134 : memref<1x64xi32, #tpu.memory_space<vmem>> -> memref<64xi32, #tpu.memory_space<vmem>>
          %dma_wait3A_136 = arith.constant 0 : i32
          %dma_wait3A_137 = arith.constant 0 : i32
          %dma_wait3A_138 = tpu.memref_slice %arg10[%dma_wait3A_136, %dma_wait3A_137] : memref<10112x32xf32, #tpu.memory_space<vmem_shared>> -> memref<10112x32xf32, #tpu.memory_space<vmem_shared>>
          tpu.wait_indirect_dma semaphore(%arg15 : memref<!tpu.dma_semaphore, #tpu.memory_space<semaphore_mem>>) src(%dma_wait3A_132 : memref<64x32xf32, #tpu.memory_space<vmem>>) dst(%dma_wait3A_138 : memref<10112x32xf32, #tpu.memory_space<vmem_shared>>)
        } else {
        }
        %add3A_112 = arith.constant 4 : i32
        %add3A_113 = arith.addi %scan3A_93, %add3A_112 : i32
        %lt3A = arith.constant 64 : i32
        %lt3A_114 = arith.cmpi slt, %add3A_113, %lt3A : i32
        %convert_element_type3A_115 = arith.extui %lt3A_114 : i1 to i32
        %cond3A_116 = arith.constant 0 : i32
        %cond3A_117 = arith.cmpi ne, %convert_element_type3A_115, %cond3A_116 : i32
        scf.if %cond3A_117 {
          %add3A_128 = arith.constant 4 : i32
          %add3A_129 = arith.addi %scan3A_93, %add3A_128 : i32
          %dma_start3A_130 = arith.constant 0 : i32
          %dma_start3A_131 = arith.constant 0 : i32
          %dma_start3A_132 = tpu.memref_slice %arg13[%rem3A_97, %dma_start3A_130, %dma_start3A_131] : memref<5x64x32xf32, #tpu.memory_space<vmem>> -> memref<1x64x32xf32, #tpu.memory_space<vmem>>
          %dma_start3A_133 = tpu.memref_squeeze %dma_start3A_132 : memref<1x64x32xf32, #tpu.memory_space<vmem>> -> memref<64x32xf32, #tpu.memory_space<vmem>>
          %dma_start3A_134 = arith.constant 0 : i32
          %dma_start3A_135 = tpu.memref_slice %arg11[%add3A_129, %dma_start3A_134] : memref<64x64xi32, #tpu.memory_space<vmem>> -> memref<1x64xi32, #tpu.memory_space<vmem>>
          %dma_start3A_136 = tpu.memref_squeeze %dma_start3A_135 : memref<1x64xi32, #tpu.memory_space<vmem>> -> memref<64xi32, #tpu.memory_space<vmem>>
          %dma_start3A_137 = arith.constant 0 : i32
          %dma_start3A_138 = arith.constant 0 : i32
          %dma_start3A_139 = tpu.memref_slice %arg9[%dma_start3A_137, %dma_start3A_138] : memref<10112x32xf32, #tpu.memory_space<vmem_shared>> -> memref<10112x32xf32, #tpu.memory_space<vmem_shared>>
          tpu.enqueue_indirect_dma source(%dma_start3A_139 : memref<10112x32xf32, #tpu.memory_space<vmem_shared>>) target(%dma_start3A_133 : memref<64x32xf32, #tpu.memory_space<vmem>>) offsets(%dma_start3A_136 : memref<64xi32, #tpu.memory_space<vmem>>) semaphore(%arg14 : memref<!tpu.dma_semaphore, #tpu.memory_space<semaphore_mem>>)
        } else {
        }
        %dma_start3A_118 = arith.constant 0 : i32
        %dma_start3A_119 = arith.constant 0 : i32
        %dma_start3A_120 = tpu.memref_slice %arg13[%rem3A_94, %dma_start3A_118, %dma_start3A_119] : memref<5x64x32xf32, #tpu.memory_space<vmem>> -> memref<1x64x32xf32, #tpu.memory_space<vmem>>
        %dma_start3A_121 = tpu.memref_squeeze %dma_start3A_120 : memref<1x64x32xf32, #tpu.memory_space<vmem>> -> memref<64x32xf32, #tpu.memory_space<vmem>>
        %dma_start3A_122 = arith.constant 0 : i32
        %dma_start3A_123 = tpu.memref_slice %arg12[%scan3A_93, %dma_start3A_122] : memref<64x64xi32, #tpu.memory_space<vmem>> -> memref<1x64xi32, #tpu.memory_space<vmem>>
        %dma_start3A_124 = tpu.memref_squeeze %dma_start3A_123 : memref<1x64xi32, #tpu.memory_space<vmem>> -> memref<64xi32, #tpu.memory_space<vmem>>
        %dma_start3A_125 = arith.constant 0 : i32
        %dma_start3A_126 = arith.constant 0 : i32
        %dma_start3A_127 = tpu.memref_slice %arg10[%dma_start3A_125, %dma_start3A_126] : memref<10112x32xf32, #tpu.memory_space<vmem_shared>> -> memref<10112x32xf32, #tpu.memory_space<vmem_shared>>
        tpu.enqueue_indirect_dma source(%dma_start3A_121 : memref<64x32xf32, #tpu.memory_space<vmem>>) target(%dma_start3A_127 : memref<10112x32xf32, #tpu.memory_space<vmem_shared>>) offsets(%dma_start3A_124 : memref<64xi32, #tpu.memory_space<vmem>>) semaphore(%arg15 : memref<!tpu.dma_semaphore, #tpu.memory_space<semaphore_mem>>) {add = true}
      }
      %scan3A_81 = arith.constant 64 : i32
      %dma_wait3A = arith.constant 3 : i32
      %dma_wait3A_82 = arith.constant 63 : i32
      %dma_wait3A_83 = arith.constant 0 : i32
      %dma_wait3A_84 = arith.constant 0 : i32
      %dma_wait3A_85 = tpu.memref_slice %arg13[%dma_wait3A, %dma_wait3A_83, %dma_wait3A_84] : memref<5x64x32xf32, #tpu.memory_space<vmem>> -> memref<1x64x32xf32, #tpu.memory_space<vmem>>
      %dma_wait3A_86 = tpu.memref_squeeze %dma_wait3A_85 : memref<1x64x32xf32, #tpu.memory_space<vmem>> -> memref<64x32xf32, #tpu.memory_space<vmem>>
      %dma_wait3A_87 = arith.constant 0 : i32
      %dma_wait3A_88 = tpu.memref_slice %arg12[%dma_wait3A_82, %dma_wait3A_87] : memref<64x64xi32, #tpu.memory_space<vmem>> -> memref<1x64xi32, #tpu.memory_space<vmem>>
      %dma_wait3A_89 = tpu.memref_squeeze %dma_wait3A_88 : memref<1x64xi32, #tpu.memory_space<vmem>> -> memref<64xi32, #tpu.memory_space<vmem>>
      %dma_wait3A_90 = arith.constant 0 : i32
      %dma_wait3A_91 = arith.constant 0 : i32
      %dma_wait3A_92 = tpu.memref_slice %arg10[%dma_wait3A_90, %dma_wait3A_91] : memref<10112x32xf32, #tpu.memory_space<vmem_shared>> -> memref<10112x32xf32, #tpu.memory_space<vmem_shared>>
      tpu.wait_indirect_dma semaphore(%arg15 : memref<!tpu.dma_semaphore, #tpu.memory_space<semaphore_mem>>) src(%dma_wait3A_86 : memref<64x32xf32, #tpu.memory_space<vmem>>) dst(%dma_wait3A_92 : memref<10112x32xf32, #tpu.memory_space<vmem_shared>>)
    }
    %scan3A_12 = arith.constant 5 : i32
    %barrier3A_13 = arith.constant 0 : index
    tpu.barrier barrier_id(%barrier3A_13)
    %eq3A_14 = arith.constant 0 : i32
    %eq3A_15 = arith.cmpi eq, %arg0, %eq3A_14 : i32
    %convert_element_type3A_16 = arith.extui %eq3A_15 : i1 to i32
    %cond3A_17 = arith.constant 0 : i32
    %cond3A_18 = arith.cmpi ne, %convert_element_type3A_16, %cond3A_17 : i32
    scf.if %cond3A_18 {
      "tpu.region"() ({
        %run_scoped3A = tpu.sem_alloc : memref<!tpu.dma_semaphore, #tpu.memory_space<semaphore_mem>>
        %dma_start3A = arith.constant 0 : i32
        %dma_start3A_24 = tpu.memref_slice %arg7[%mul3A_0, %dma_start3A] : memref<10112x32xf32, #tpu.memory_space<hbm>> -> memref<632x32xf32, #tpu.memory_space<hbm>>
        %dma_start3A_25 = arith.constant 0 : i32
        %dma_start3A_26 = tpu.memref_slice %arg10[%mul3A_0, %dma_start3A_25] : memref<10112x32xf32, #tpu.memory_space<vmem_shared>> -> memref<632x32xf32, #tpu.memory_space<vmem_shared>>
        tpu.enqueue_dma source(%dma_start3A_26 : memref<632x32xf32, #tpu.memory_space<vmem_shared>>) target(%dma_start3A_24 : memref<632x32xf32, #tpu.memory_space<hbm>>) target_semaphore(%run_scoped3A : memref<!tpu.dma_semaphore, #tpu.memory_space<semaphore_mem>>)
        %dma_wait3A = arith.constant 0 : i32
        %dma_wait3A_27 = tpu.memref_slice %arg7[%mul3A_0, %dma_wait3A] : memref<10112x32xf32, #tpu.memory_space<hbm>> -> memref<632x32xf32, #tpu.memory_space<hbm>>
        %dma_wait3A_28 = arith.constant 0 : i32
        %dma_wait3A_29 = tpu.memref_slice %arg10[%mul3A_0, %dma_wait3A_28] : memref<10112x32xf32, #tpu.memory_space<vmem_shared>> -> memref<632x32xf32, #tpu.memory_space<vmem_shared>>
        tpu.wait_dma2 semaphore(%run_scoped3A : memref<!tpu.dma_semaphore, #tpu.memory_space<semaphore_mem>>) src(%dma_wait3A_29 : memref<632x32xf32, #tpu.memory_space<vmem_shared>>) dst(%dma_wait3A_27 : memref<632x32xf32, #tpu.memory_space<hbm>>)
        tpu.yield
      }) : () -> ()
    } else {
    }
    %eq3A_19 = arith.constant 1 : i32
    %eq3A_20 = arith.cmpi eq, %arg0, %eq3A_19 : i32
    %convert_element_type3A_21 = arith.extui %eq3A_20 : i1 to i32
    %cond3A_22 = arith.constant 0 : i32
    %cond3A_23 = arith.cmpi ne, %convert_element_type3A_21, %cond3A_22 : i32
    scf.if %cond3A_23 {
      "tpu.region"() ({
        %run_scoped3A = tpu.sem_alloc : memref<!tpu.dma_semaphore, #tpu.memory_space<semaphore_mem>>
        %dma_start3A = arith.constant 0 : i32
        %dma_start3A_24 = tpu.memref_slice %arg8[%mul3A_0, %dma_start3A] : memref<10112x32xf32, #tpu.memory_space<hbm>> -> memref<632x32xf32, #tpu.memory_space<hbm>>
        %dma_start3A_25 = arith.constant 0 : i32
        %dma_start3A_26 = tpu.memref_slice %arg10[%mul3A_0, %dma_start3A_25] : memref<10112x32xf32, #tpu.memory_space<vmem_shared>> -> memref<632x32xf32, #tpu.memory_space<vmem_shared>>
        tpu.enqueue_dma source(%dma_start3A_26 : memref<632x32xf32, #tpu.memory_space<vmem_shared>>) target(%dma_start3A_24 : memref<632x32xf32, #tpu.memory_space<hbm>>) target_semaphore(%run_scoped3A : memref<!tpu.dma_semaphore, #tpu.memory_space<semaphore_mem>>)
        %dma_wait3A = arith.constant 0 : i32
        %dma_wait3A_27 = tpu.memref_slice %arg8[%mul3A_0, %dma_wait3A] : memref<10112x32xf32, #tpu.memory_space<hbm>> -> memref<632x32xf32, #tpu.memory_space<hbm>>
        %dma_wait3A_28 = arith.constant 0 : i32
        %dma_wait3A_29 = tpu.memref_slice %arg10[%mul3A_0, %dma_wait3A_28] : memref<10112x32xf32, #tpu.memory_space<vmem_shared>> -> memref<632x32xf32, #tpu.memory_space<vmem_shared>>
        tpu.wait_dma2 semaphore(%run_scoped3A : memref<!tpu.dma_semaphore, #tpu.memory_space<semaphore_mem>>) src(%dma_wait3A_29 : memref<632x32xf32, #tpu.memory_space<vmem_shared>>) dst(%dma_wait3A_27 : memref<632x32xf32, #tpu.memory_space<hbm>>)
        tpu.yield
      }) : () -> ()
    } else {
    }
    return
  }
}

module attributes {stable_mosaic.version = 14 : i64} {
  func.func @body(%arg0: i32, %arg1: memref<1000x128xf32, #tpu.memory_space<vmem>>, %arg2: memref<128x128xf32, #tpu.memory_space<vmem>>, %arg3: memref<128x128xf32, #tpu.memory_space<vmem>>, %arg4: memref<1000x64xf32, #tpu.memory_space<vmem>>, %arg5: memref<1000x64xf32, #tpu.memory_space<vmem>>, %arg6: memref<1000x128xf32, #tpu.memory_space<vmem>>) attributes {dimension_semantics = [#tpu.dimension_semantics<arbitrary>], iteration_bounds = array<i64: 10>, scalar_prefetch = 0 : i64, scratch_operands = 0 : i64, tpu.core_type = #tpu.core_type<tc>, window_params = [{transform_indices = @transform_0, window_bounds = array<i64: 1000, 128>}, {pipeline_mode = #tpu.pipeline_mode<synchronous>, transform_indices = @transform_1, window_bounds = array<i64: 128, 128>}, {pipeline_mode = #tpu.pipeline_mode<synchronous>, transform_indices = @transform_2, window_bounds = array<i64: 128, 128>}, {transform_indices = @transform_3, window_bounds = array<i64: 1000, 64>}, {transform_indices = @transform_4, window_bounds = array<i64: 1000, 64>}, {transform_indices = @transform_5, window_bounds = array<i64: 1000, 128>}]} {
    %get3A = arith.constant 0 : index
    %get3A_0 = arith.constant 0 : index
    %get3A_1 = vector.load %arg1[%get3A, %get3A_0] : memref<1000x128xf32, #tpu.memory_space<vmem>>, vector<1000x128xf32>
    %get3A_2 = arith.constant 0 : index
    %get3A_3 = arith.constant 0 : index
    %get3A_4 = vector.load %arg2[%get3A_2, %get3A_3] : memref<128x128xf32, #tpu.memory_space<vmem>>, vector<128x128xf32>
    %dot_general3A = arith.constant dense<0.000000e+00> : vector<1000x128xf32>
    %dot_general3A_5 = tpu.matmul %get3A_1, %get3A_4, %dot_general3A {dimension_numbers = #tpu.dot_dimension_numbers<[1], [0], [0], [1], [0, 0, 1, 1], [], []>, transpose_lhs_hint = false} : vector<1000x128xf32>, vector<128x128xf32>, vector<1000x128xf32> -> vector<1000x128xf32>
    %slice3A = vector.extract_strided_slice %dot_general3A_5 {offsets = [0, 0], sizes = [1000, 64], strides = [1, 1]} : vector<1000x128xf32> to vector<1000x64xf32>
    %swap3A = arith.constant 0 : index
    %swap3A_6 = arith.constant 0 : index
    %swap3A_7 = vector.load %arg4[%swap3A, %swap3A_6] : memref<1000x64xf32, #tpu.memory_space<vmem>>, vector<1000x64xf32>
    tpu.vector_store %arg4[%swap3A, %swap3A_6], %slice3A {strides = array<i32>} : memref<1000x64xf32, #tpu.memory_space<vmem>>, vector<1000x64xf32>,
    %slice3A_8 = vector.extract_strided_slice %dot_general3A_5 {offsets = [0, 64], sizes = [1000, 64], strides = [1, 1]} : vector<1000x128xf32> to vector<1000x64xf32>
    %swap3A_9 = arith.constant 0 : index
    %swap3A_10 = arith.constant 0 : index
    %swap3A_11 = vector.load %arg5[%swap3A_9, %swap3A_10] : memref<1000x64xf32, #tpu.memory_space<vmem>>, vector<1000x64xf32>
    tpu.vector_store %arg5[%swap3A_9, %swap3A_10], %slice3A_8 {strides = array<i32>} : memref<1000x64xf32, #tpu.memory_space<vmem>>, vector<1000x64xf32>,
    %get3A_12 = arith.constant 0 : index
    %get3A_13 = arith.constant 0 : index
    %get3A_14 = vector.load %arg3[%get3A_12, %get3A_13] : memref<128x128xf32, #tpu.memory_space<vmem>>, vector<128x128xf32>
    %dot_general3A_15 = arith.constant dense<0.000000e+00> : vector<1000x128xf32>
    %dot_general3A_16 = tpu.matmul %get3A_1, %get3A_14, %dot_general3A_15 {dimension_numbers = #tpu.dot_dimension_numbers<[1], [0], [0], [1], [0, 0, 1, 1], [], []>, transpose_lhs_hint = false} : vector<1000x128xf32>, vector<128x128xf32>, vector<1000x128xf32> -> vector<1000x128xf32>
    %swap3A_17 = arith.constant 0 : index
    %swap3A_18 = arith.constant 0 : index
    %swap3A_19 = vector.load %arg6[%swap3A_17, %swap3A_18] : memref<1000x128xf32, #tpu.memory_space<vmem>>, vector<1000x128xf32>
    tpu.vector_store %arg6[%swap3A_17, %swap3A_18], %dot_general3A_16 {strides = array<i32>} : memref<1000x128xf32, #tpu.memory_space<vmem>>, vector<1000x128xf32>,
    return
  }
  func.func @transform_0(%arg0: i32) -> (i32, i32) {
    %c0_i32 = arith.constant 0 : i32
    %c0_i32_0 = arith.constant 0 : i32
    return %arg0, %c0_i32 : i32, i32
  }
  func.func @transform_1(%arg0: i32) -> (i32, i32) {
    %c0_i32 = arith.constant 0 : i32
    %c0_i32_0 = arith.constant 0 : i32
    %c0_i32_1 = arith.constant 0 : i32
    return %c0_i32, %c0_i32_0 : i32, i32
  }
  func.func @transform_2(%arg0: i32) -> (i32, i32) {
    %c0_i32 = arith.constant 0 : i32
    %c0_i32_0 = arith.constant 0 : i32
    %c0_i32_1 = arith.constant 0 : i32
    return %c0_i32, %c0_i32_0 : i32, i32
  }
  func.func @transform_3(%arg0: i32) -> (i32, i32) {
    %c0_i32 = arith.constant 0 : i32
    %c0_i32_0 = arith.constant 0 : i32
    return %arg0, %c0_i32 : i32, i32
  }
  func.func @transform_4(%arg0: i32) -> (i32, i32) {
    %c0_i32 = arith.constant 0 : i32
    %c0_i32_0 = arith.constant 0 : i32
    return %arg0, %c0_i32 : i32, i32
  }
  func.func @transform_5(%arg0: i32) -> (i32, i32) {
    %c0_i32 = arith.constant 0 : i32
    %c0_i32_0 = arith.constant 0 : i32
    return %arg0, %c0_i32 : i32, i32
  }
}

module attributes {stable_mosaic.version = 14 : i64} {
  func.func @body(%arg0: i32, %arg1: memref<1000x64xf32, #tpu.memory_space<vmem>>, %arg2: memref<1000x64xf32, #tpu.memory_space<vmem>>, %arg3: memref<1000x16xf32, #tpu.memory_space<vmem>>, %arg4: memref<1000x16xf32, #tpu.memory_space<vmem>>, %arg5: memref<1000x128xf32, #tpu.memory_space<vmem>>, %arg6: memref<1x128xf32, #tpu.memory_space<vmem>>, %arg7: memref<128x128xf32, #tpu.memory_space<vmem>>, %arg8: memref<128x128xf32, #tpu.memory_space<vmem>>, %arg9: memref<1000x64xf32, #tpu.memory_space<vmem>>, %arg10: memref<1000x64xf32, #tpu.memory_space<vmem>>, %arg11: memref<1000x128xf32, #tpu.memory_space<vmem>>) attributes {dimension_semantics = [#tpu.dimension_semantics<arbitrary>], iteration_bounds = array<i64: 10>, scalar_prefetch = 0 : i64, scratch_operands = 0 : i64, tpu.core_type = #tpu.core_type<tc>, window_params = [{transform_indices = @transform_0, window_bounds = array<i64: 1000, 64>}, {transform_indices = @transform_1, window_bounds = array<i64: 1000, 64>}, {transform_indices = @transform_2, window_bounds = array<i64: 1000, 16>}, {transform_indices = @transform_3, window_bounds = array<i64: 1000, 16>}, {transform_indices = @transform_4, window_bounds = array<i64: 1000, 128>}, {pipeline_mode = #tpu.pipeline_mode<synchronous>, transform_indices = @transform_5, window_bounds = array<i64: 1, 128>}, {pipeline_mode = #tpu.pipeline_mode<synchronous>, transform_indices = @transform_6, window_bounds = array<i64: 128, 128>}, {pipeline_mode = #tpu.pipeline_mode<synchronous>, transform_indices = @transform_7, window_bounds = array<i64: 128, 128>}, {transform_indices = @transform_8, window_bounds = array<i64: 1000, 64>}, {transform_indices = @transform_9, window_bounds = array<i64: 1000, 64>}, {transform_indices = @transform_10, window_bounds = array<i64: 1000, 128>}]} {
    %get3A = arith.constant 0 : index
    %get3A_0 = arith.constant 0 : index
    %get3A_1 = vector.load %arg3[%get3A, %get3A_0] : memref<1000x16xf32, #tpu.memory_space<vmem>>, vector<1000x16xf32>
    %slice3A = vector.extract_strided_slice %get3A_1 {offsets = [0, 0], sizes = [1000, 1], strides = [1, 1]} : vector<1000x16xf32> to vector<1000x1xf32>
    %get3A_2 = arith.constant 0 : index
    %get3A_3 = arith.constant 0 : index
    %get3A_4 = vector.load %arg4[%get3A_2, %get3A_3] : memref<1000x16xf32, #tpu.memory_space<vmem>>, vector<1000x16xf32>
    %slice3A_5 = vector.extract_strided_slice %get3A_4 {offsets = [0, 0], sizes = [1000, 1], strides = [1, 1]} : vector<1000x16xf32> to vector<1000x1xf32>
    %add3A = arith.addf %slice3A, %slice3A_5 : vector<1000x1xf32>
    %max3A = arith.constant 1.000000e+00 : f32
    %max3A_6 = vector.broadcast %max3A : f32 to vector<1000x1xf32>
    %max3A_7 = arith.maximumf %add3A, %max3A_6 : vector<1000x1xf32>
    %div3A = arith.constant 1.000000e+00 : f32
    %div3A_8 = vector.broadcast %div3A : f32 to vector<1000x1xf32>
    %div3A_9 = arith.divf %div3A_8, %max3A_7 : vector<1000x1xf32>
    %get3A_10 = arith.constant 0 : index
    %get3A_11 = arith.constant 0 : index
    %get3A_12 = vector.load %arg1[%get3A_10, %get3A_11] : memref<1000x64xf32, #tpu.memory_space<vmem>>, vector<1000x64xf32>
    %get3A_13 = arith.constant 0 : index
    %get3A_14 = arith.constant 0 : index
    %get3A_15 = vector.load %arg2[%get3A_13, %get3A_14] : memref<1000x64xf32, #tpu.memory_space<vmem>>, vector<1000x64xf32>
    %concatenate3A = tpu.concatenate %get3A_12, %get3A_15 in 1 : vector<1000x64xf32>, vector<1000x64xf32> -> vector<1000x128xf32>
    %mul3A = vector.broadcast %div3A_9 : vector<1000x1xf32> to vector<1000x128xf32>
    %mul3A_16 = arith.mulf %concatenate3A, %mul3A : vector<1000x128xf32>
    %get3A_17 = arith.constant 0 : index
    %get3A_18 = arith.constant 0 : index
    %get3A_19 = vector.load %arg6[%get3A_17, %get3A_18] : memref<1x128xf32, #tpu.memory_space<vmem>>, vector<1x128xf32>
    %add3A_20 = vector.broadcast %get3A_19 : vector<1x128xf32> to vector<1000x128xf32>
    %add3A_21 = arith.addf %mul3A_16, %add3A_20 : vector<1000x128xf32>
    %get3A_22 = arith.constant 0 : index
    %get3A_23 = arith.constant 0 : index
    %get3A_24 = vector.load %arg5[%get3A_22, %get3A_23] : memref<1000x128xf32, #tpu.memory_space<vmem>>, vector<1000x128xf32>
    %add3A_25 = arith.addf %add3A_21, %get3A_24 : vector<1000x128xf32>
    %max3A_26 = arith.constant 0.000000e+00 : f32
    %max3A_27 = vector.broadcast %max3A_26 : f32 to vector<1000x128xf32>
    %max3A_28 = arith.maximumf %add3A_25, %max3A_27 : vector<1000x128xf32>
    %get3A_29 = arith.constant 0 : index
    %get3A_30 = arith.constant 0 : index
    %get3A_31 = vector.load %arg7[%get3A_29, %get3A_30] : memref<128x128xf32, #tpu.memory_space<vmem>>, vector<128x128xf32>
    %dot_general3A = arith.constant dense<0.000000e+00> : vector<1000x128xf32>
    %dot_general3A_32 = tpu.matmul %max3A_28, %get3A_31, %dot_general3A {dimension_numbers = #tpu.dot_dimension_numbers<[1], [0], [0], [1], [0, 0, 1, 1], [], []>, transpose_lhs_hint = false} : vector<1000x128xf32>, vector<128x128xf32>, vector<1000x128xf32> -> vector<1000x128xf32>
    %slice3A_33 = vector.extract_strided_slice %dot_general3A_32 {offsets = [0, 0], sizes = [1000, 64], strides = [1, 1]} : vector<1000x128xf32> to vector<1000x64xf32>
    %swap3A = arith.constant 0 : index
    %swap3A_34 = arith.constant 0 : index
    %swap3A_35 = vector.load %arg9[%swap3A, %swap3A_34] : memref<1000x64xf32, #tpu.memory_space<vmem>>, vector<1000x64xf32>
    tpu.vector_store %arg9[%swap3A, %swap3A_34], %slice3A_33 {strides = array<i32>} : memref<1000x64xf32, #tpu.memory_space<vmem>>, vector<1000x64xf32>,
    %slice3A_36 = vector.extract_strided_slice %dot_general3A_32 {offsets = [0, 64], sizes = [1000, 64], strides = [1, 1]} : vector<1000x128xf32> to vector<1000x64xf32>
    %swap3A_37 = arith.constant 0 : index
    %swap3A_38 = arith.constant 0 : index
    %swap3A_39 = vector.load %arg10[%swap3A_37, %swap3A_38] : memref<1000x64xf32, #tpu.memory_space<vmem>>, vector<1000x64xf32>
    tpu.vector_store %arg10[%swap3A_37, %swap3A_38], %slice3A_36 {strides = array<i32>} : memref<1000x64xf32, #tpu.memory_space<vmem>>, vector<1000x64xf32>,
    %get3A_40 = arith.constant 0 : index
    %get3A_41 = arith.constant 0 : index
    %get3A_42 = vector.load %arg8[%get3A_40, %get3A_41] : memref<128x128xf32, #tpu.memory_space<vmem>>, vector<128x128xf32>
    %dot_general3A_43 = arith.constant dense<0.000000e+00> : vector<1000x128xf32>
    %dot_general3A_44 = tpu.matmul %max3A_28, %get3A_42, %dot_general3A_43 {dimension_numbers = #tpu.dot_dimension_numbers<[1], [0], [0], [1], [0, 0, 1, 1], [], []>, transpose_lhs_hint = false} : vector<1000x128xf32>, vector<128x128xf32>, vector<1000x128xf32> -> vector<1000x128xf32>
    %swap3A_45 = arith.constant 0 : index
    %swap3A_46 = arith.constant 0 : index
    %swap3A_47 = vector.load %arg11[%swap3A_45, %swap3A_46] : memref<1000x128xf32, #tpu.memory_space<vmem>>, vector<1000x128xf32>
    tpu.vector_store %arg11[%swap3A_45, %swap3A_46], %dot_general3A_44 {strides = array<i32>} : memref<1000x128xf32, #tpu.memory_space<vmem>>, vector<1000x128xf32>,
    return
  }
  func.func @transform_0(%arg0: i32) -> (i32, i32) {
    %c0_i32 = arith.constant 0 : i32
    %c0_i32_0 = arith.constant 0 : i32
    return %arg0, %c0_i32 : i32, i32
  }
  func.func @transform_1(%arg0: i32) -> (i32, i32) {
    %c0_i32 = arith.constant 0 : i32
    %c0_i32_0 = arith.constant 0 : i32
    return %arg0, %c0_i32 : i32, i32
  }
  func.func @transform_2(%arg0: i32) -> (i32, i32) {
    %c0_i32 = arith.constant 0 : i32
    %c0_i32_0 = arith.constant 0 : i32
    return %arg0, %c0_i32 : i32, i32
  }
  func.func @transform_3(%arg0: i32) -> (i32, i32) {
    %c0_i32 = arith.constant 0 : i32
    %c0_i32_0 = arith.constant 0 : i32
    return %arg0, %c0_i32 : i32, i32
  }
  func.func @transform_4(%arg0: i32) -> (i32, i32) {
    %c0_i32 = arith.constant 0 : i32
    %c0_i32_0 = arith.constant 0 : i32
    return %arg0, %c0_i32 : i32, i32
  }
  func.func @transform_5(%arg0: i32) -> (i32, i32) {
    %c0_i32 = arith.constant 0 : i32
    %c0_i32_0 = arith.constant 0 : i32
    %c0_i32_1 = arith.constant 0 : i32
    return %c0_i32, %c0_i32_0 : i32, i32
  }
  func.func @transform_6(%arg0: i32) -> (i32, i32) {
    %c0_i32 = arith.constant 0 : i32
    %c0_i32_0 = arith.constant 0 : i32
    %c0_i32_1 = arith.constant 0 : i32
    return %c0_i32, %c0_i32_0 : i32, i32
  }
  func.func @transform_7(%arg0: i32) -> (i32, i32) {
    %c0_i32 = arith.constant 0 : i32
    %c0_i32_0 = arith.constant 0 : i32
    %c0_i32_1 = arith.constant 0 : i32
    return %c0_i32, %c0_i32_0 : i32, i32
  }
  func.func @transform_8(%arg0: i32) -> (i32, i32) {
    %c0_i32 = arith.constant 0 : i32
    %c0_i32_0 = arith.constant 0 : i32
    return %arg0, %c0_i32 : i32, i32
  }
  func.func @transform_9(%arg0: i32) -> (i32, i32) {
    %c0_i32 = arith.constant 0 : i32
    %c0_i32_0 = arith.constant 0 : i32
    return %arg0, %c0_i32 : i32, i32
  }
  func.func @transform_10(%arg0: i32) -> (i32, i32) {
    %c0_i32 = arith.constant 0 : i32
    %c0_i32_0 = arith.constant 0 : i32
    return %arg0, %c0_i32 : i32, i32
  }
}

module attributes {stable_mosaic.version = 14 : i64} {
  func.func @body(%arg0: i32, %arg1: memref<1000x64xf32, #tpu.memory_space<vmem>>, %arg2: memref<1000x64xf32, #tpu.memory_space<vmem>>, %arg3: memref<1000x16xf32, #tpu.memory_space<vmem>>, %arg4: memref<1000x16xf32, #tpu.memory_space<vmem>>, %arg5: memref<1000x128xf32, #tpu.memory_space<vmem>>, %arg6: memref<1x128xf32, #tpu.memory_space<vmem>>, %arg7: memref<128x64xf32, #tpu.memory_space<vmem>>, %arg8: memref<128x64xf32, #tpu.memory_space<vmem>>, %arg9: memref<1000x32xf32, #tpu.memory_space<vmem>>, %arg10: memref<1000x32xf32, #tpu.memory_space<vmem>>, %arg11: memref<1000x64xf32, #tpu.memory_space<vmem>>) attributes {dimension_semantics = [#tpu.dimension_semantics<arbitrary>], iteration_bounds = array<i64: 10>, scalar_prefetch = 0 : i64, scratch_operands = 0 : i64, tpu.core_type = #tpu.core_type<tc>, window_params = [{transform_indices = @transform_0, window_bounds = array<i64: 1000, 64>}, {transform_indices = @transform_1, window_bounds = array<i64: 1000, 64>}, {transform_indices = @transform_2, window_bounds = array<i64: 1000, 16>}, {transform_indices = @transform_3, window_bounds = array<i64: 1000, 16>}, {transform_indices = @transform_4, window_bounds = array<i64: 1000, 128>}, {pipeline_mode = #tpu.pipeline_mode<synchronous>, transform_indices = @transform_5, window_bounds = array<i64: 1, 128>}, {pipeline_mode = #tpu.pipeline_mode<synchronous>, transform_indices = @transform_6, window_bounds = array<i64: 128, 64>}, {pipeline_mode = #tpu.pipeline_mode<synchronous>, transform_indices = @transform_7, window_bounds = array<i64: 128, 64>}, {transform_indices = @transform_8, window_bounds = array<i64: 1000, 32>}, {transform_indices = @transform_9, window_bounds = array<i64: 1000, 32>}, {transform_indices = @transform_10, window_bounds = array<i64: 1000, 64>}]} {
    %get3A = arith.constant 0 : index
    %get3A_0 = arith.constant 0 : index
    %get3A_1 = vector.load %arg3[%get3A, %get3A_0] : memref<1000x16xf32, #tpu.memory_space<vmem>>, vector<1000x16xf32>
    %slice3A = vector.extract_strided_slice %get3A_1 {offsets = [0, 0], sizes = [1000, 1], strides = [1, 1]} : vector<1000x16xf32> to vector<1000x1xf32>
    %get3A_2 = arith.constant 0 : index
    %get3A_3 = arith.constant 0 : index
    %get3A_4 = vector.load %arg4[%get3A_2, %get3A_3] : memref<1000x16xf32, #tpu.memory_space<vmem>>, vector<1000x16xf32>
    %slice3A_5 = vector.extract_strided_slice %get3A_4 {offsets = [0, 0], sizes = [1000, 1], strides = [1, 1]} : vector<1000x16xf32> to vector<1000x1xf32>
    %add3A = arith.addf %slice3A, %slice3A_5 : vector<1000x1xf32>
    %max3A = arith.constant 1.000000e+00 : f32
    %max3A_6 = vector.broadcast %max3A : f32 to vector<1000x1xf32>
    %max3A_7 = arith.maximumf %add3A, %max3A_6 : vector<1000x1xf32>
    %div3A = arith.constant 1.000000e+00 : f32
    %div3A_8 = vector.broadcast %div3A : f32 to vector<1000x1xf32>
    %div3A_9 = arith.divf %div3A_8, %max3A_7 : vector<1000x1xf32>
    %get3A_10 = arith.constant 0 : index
    %get3A_11 = arith.constant 0 : index
    %get3A_12 = vector.load %arg1[%get3A_10, %get3A_11] : memref<1000x64xf32, #tpu.memory_space<vmem>>, vector<1000x64xf32>
    %get3A_13 = arith.constant 0 : index
    %get3A_14 = arith.constant 0 : index
    %get3A_15 = vector.load %arg2[%get3A_13, %get3A_14] : memref<1000x64xf32, #tpu.memory_space<vmem>>, vector<1000x64xf32>
    %concatenate3A = tpu.concatenate %get3A_12, %get3A_15 in 1 : vector<1000x64xf32>, vector<1000x64xf32> -> vector<1000x128xf32>
    %mul3A = vector.broadcast %div3A_9 : vector<1000x1xf32> to vector<1000x128xf32>
    %mul3A_16 = arith.mulf %concatenate3A, %mul3A : vector<1000x128xf32>
    %get3A_17 = arith.constant 0 : index
    %get3A_18 = arith.constant 0 : index
    %get3A_19 = vector.load %arg6[%get3A_17, %get3A_18] : memref<1x128xf32, #tpu.memory_space<vmem>>, vector<1x128xf32>
    %add3A_20 = vector.broadcast %get3A_19 : vector<1x128xf32> to vector<1000x128xf32>
    %add3A_21 = arith.addf %mul3A_16, %add3A_20 : vector<1000x128xf32>
    %get3A_22 = arith.constant 0 : index
    %get3A_23 = arith.constant 0 : index
    %get3A_24 = vector.load %arg5[%get3A_22, %get3A_23] : memref<1000x128xf32, #tpu.memory_space<vmem>>, vector<1000x128xf32>
    %add3A_25 = arith.addf %add3A_21, %get3A_24 : vector<1000x128xf32>
    %max3A_26 = arith.constant 0.000000e+00 : f32
    %max3A_27 = vector.broadcast %max3A_26 : f32 to vector<1000x128xf32>
    %max3A_28 = arith.maximumf %add3A_25, %max3A_27 : vector<1000x128xf32>
    %get3A_29 = arith.constant 0 : index
    %get3A_30 = arith.constant 0 : index
    %get3A_31 = vector.load %arg7[%get3A_29, %get3A_30] : memref<128x64xf32, #tpu.memory_space<vmem>>, vector<128x64xf32>
    %dot_general3A = arith.constant dense<0.000000e+00> : vector<1000x64xf32>
    %dot_general3A_32 = tpu.matmul %max3A_28, %get3A_31, %dot_general3A {dimension_numbers = #tpu.dot_dimension_numbers<[1], [0], [0], [1], [0, 0, 1, 1], [], []>, transpose_lhs_hint = false} : vector<1000x128xf32>, vector<128x64xf32>, vector<1000x64xf32> -> vector<1000x64xf32>
    %slice3A_33 = vector.extract_strided_slice %dot_general3A_32 {offsets = [0, 0], sizes = [1000, 32], strides = [1, 1]} : vector<1000x64xf32> to vector<1000x32xf32>
    %swap3A = arith.constant 0 : index
    %swap3A_34 = arith.constant 0 : index
    %swap3A_35 = vector.load %arg9[%swap3A, %swap3A_34] : memref<1000x32xf32, #tpu.memory_space<vmem>>, vector<1000x32xf32>
    tpu.vector_store %arg9[%swap3A, %swap3A_34], %slice3A_33 {strides = array<i32>} : memref<1000x32xf32, #tpu.memory_space<vmem>>, vector<1000x32xf32>,
    %slice3A_36 = vector.extract_strided_slice %dot_general3A_32 {offsets = [0, 32], sizes = [1000, 32], strides = [1, 1]} : vector<1000x64xf32> to vector<1000x32xf32>
    %swap3A_37 = arith.constant 0 : index
    %swap3A_38 = arith.constant 0 : index
    %swap3A_39 = vector.load %arg10[%swap3A_37, %swap3A_38] : memref<1000x32xf32, #tpu.memory_space<vmem>>, vector<1000x32xf32>
    tpu.vector_store %arg10[%swap3A_37, %swap3A_38], %slice3A_36 {strides = array<i32>} : memref<1000x32xf32, #tpu.memory_space<vmem>>, vector<1000x32xf32>,
    %get3A_40 = arith.constant 0 : index
    %get3A_41 = arith.constant 0 : index
    %get3A_42 = vector.load %arg8[%get3A_40, %get3A_41] : memref<128x64xf32, #tpu.memory_space<vmem>>, vector<128x64xf32>
    %dot_general3A_43 = arith.constant dense<0.000000e+00> : vector<1000x64xf32>
    %dot_general3A_44 = tpu.matmul %max3A_28, %get3A_42, %dot_general3A_43 {dimension_numbers = #tpu.dot_dimension_numbers<[1], [0], [0], [1], [0, 0, 1, 1], [], []>, transpose_lhs_hint = false} : vector<1000x128xf32>, vector<128x64xf32>, vector<1000x64xf32> -> vector<1000x64xf32>
    %swap3A_45 = arith.constant 0 : index
    %swap3A_46 = arith.constant 0 : index
    %swap3A_47 = vector.load %arg11[%swap3A_45, %swap3A_46] : memref<1000x64xf32, #tpu.memory_space<vmem>>, vector<1000x64xf32>
    tpu.vector_store %arg11[%swap3A_45, %swap3A_46], %dot_general3A_44 {strides = array<i32>} : memref<1000x64xf32, #tpu.memory_space<vmem>>, vector<1000x64xf32>,
    return
  }
  func.func @transform_0(%arg0: i32) -> (i32, i32) {
    %c0_i32 = arith.constant 0 : i32
    %c0_i32_0 = arith.constant 0 : i32
    return %arg0, %c0_i32 : i32, i32
  }
  func.func @transform_1(%arg0: i32) -> (i32, i32) {
    %c0_i32 = arith.constant 0 : i32
    %c0_i32_0 = arith.constant 0 : i32
    return %arg0, %c0_i32 : i32, i32
  }
  func.func @transform_2(%arg0: i32) -> (i32, i32) {
    %c0_i32 = arith.constant 0 : i32
    %c0_i32_0 = arith.constant 0 : i32
    return %arg0, %c0_i32 : i32, i32
  }
  func.func @transform_3(%arg0: i32) -> (i32, i32) {
    %c0_i32 = arith.constant 0 : i32
    %c0_i32_0 = arith.constant 0 : i32
    return %arg0, %c0_i32 : i32, i32
  }
  func.func @transform_4(%arg0: i32) -> (i32, i32) {
    %c0_i32 = arith.constant 0 : i32
    %c0_i32_0 = arith.constant 0 : i32
    return %arg0, %c0_i32 : i32, i32
  }
  func.func @transform_5(%arg0: i32) -> (i32, i32) {
    %c0_i32 = arith.constant 0 : i32
    %c0_i32_0 = arith.constant 0 : i32
    %c0_i32_1 = arith.constant 0 : i32
    return %c0_i32, %c0_i32_0 : i32, i32
  }
  func.func @transform_6(%arg0: i32) -> (i32, i32) {
    %c0_i32 = arith.constant 0 : i32
    %c0_i32_0 = arith.constant 0 : i32
    %c0_i32_1 = arith.constant 0 : i32
    return %c0_i32, %c0_i32_0 : i32, i32
  }
  func.func @transform_7(%arg0: i32) -> (i32, i32) {
    %c0_i32 = arith.constant 0 : i32
    %c0_i32_0 = arith.constant 0 : i32
    %c0_i32_1 = arith.constant 0 : i32
    return %c0_i32, %c0_i32_0 : i32, i32
  }
  func.func @transform_8(%arg0: i32) -> (i32, i32) {
    %c0_i32 = arith.constant 0 : i32
    %c0_i32_0 = arith.constant 0 : i32
    return %arg0, %c0_i32 : i32, i32
  }
  func.func @transform_9(%arg0: i32) -> (i32, i32) {
    %c0_i32 = arith.constant 0 : i32
    %c0_i32_0 = arith.constant 0 : i32
    return %arg0, %c0_i32 : i32, i32
  }
  func.func @transform_10(%arg0: i32) -> (i32, i32) {
    %c0_i32 = arith.constant 0 : i32
    %c0_i32_0 = arith.constant 0 : i32
    return %arg0, %c0_i32 : i32, i32
  }
}

module attributes {stable_mosaic.version = 14 : i64} {
  func.func @body(%arg0: i32, %arg1: memref<1000x32xf32, #tpu.memory_space<vmem>>, %arg2: memref<1000x32xf32, #tpu.memory_space<vmem>>, %arg3: memref<1000x16xf32, #tpu.memory_space<vmem>>, %arg4: memref<1000x16xf32, #tpu.memory_space<vmem>>, %arg5: memref<1000x64xf32, #tpu.memory_space<vmem>>, %arg6: memref<1x64xf32, #tpu.memory_space<vmem>>, %arg7: memref<64x128xf32, #tpu.memory_space<vmem>>, %arg8: memref<1x128xf32, #tpu.memory_space<vmem>>, %arg9: memref<1000x128xf32, #tpu.memory_space<vmem>>) attributes {dimension_semantics = [#tpu.dimension_semantics<arbitrary>], iteration_bounds = array<i64: 10>, scalar_prefetch = 0 : i64, scratch_operands = 0 : i64, tpu.core_type = #tpu.core_type<tc>, window_params = [{transform_indices = @transform_0, window_bounds = array<i64: 1000, 32>}, {transform_indices = @transform_1, window_bounds = array<i64: 1000, 32>}, {transform_indices = @transform_2, window_bounds = array<i64: 1000, 16>}, {transform_indices = @transform_3, window_bounds = array<i64: 1000, 16>}, {transform_indices = @transform_4, window_bounds = array<i64: 1000, 64>}, {pipeline_mode = #tpu.pipeline_mode<synchronous>, transform_indices = @transform_5, window_bounds = array<i64: 1, 64>}, {pipeline_mode = #tpu.pipeline_mode<synchronous>, transform_indices = @transform_6, window_bounds = array<i64: 64, 128>}, {pipeline_mode = #tpu.pipeline_mode<synchronous>, transform_indices = @transform_7, window_bounds = array<i64: 1, 128>}, {transform_indices = @transform_8, window_bounds = array<i64: 1000, 128>}]} {
    %get3A = arith.constant 0 : index
    %get3A_0 = arith.constant 0 : index
    %get3A_1 = vector.load %arg3[%get3A, %get3A_0] : memref<1000x16xf32, #tpu.memory_space<vmem>>, vector<1000x16xf32>
    %slice3A = vector.extract_strided_slice %get3A_1 {offsets = [0, 0], sizes = [1000, 1], strides = [1, 1]} : vector<1000x16xf32> to vector<1000x1xf32>
    %get3A_2 = arith.constant 0 : index
    %get3A_3 = arith.constant 0 : index
    %get3A_4 = vector.load %arg4[%get3A_2, %get3A_3] : memref<1000x16xf32, #tpu.memory_space<vmem>>, vector<1000x16xf32>
    %slice3A_5 = vector.extract_strided_slice %get3A_4 {offsets = [0, 0], sizes = [1000, 1], strides = [1, 1]} : vector<1000x16xf32> to vector<1000x1xf32>
    %add3A = arith.addf %slice3A, %slice3A_5 : vector<1000x1xf32>
    %max3A = arith.constant 1.000000e+00 : f32
    %max3A_6 = vector.broadcast %max3A : f32 to vector<1000x1xf32>
    %max3A_7 = arith.maximumf %add3A, %max3A_6 : vector<1000x1xf32>
    %div3A = arith.constant 1.000000e+00 : f32
    %div3A_8 = vector.broadcast %div3A : f32 to vector<1000x1xf32>
    %div3A_9 = arith.divf %div3A_8, %max3A_7 : vector<1000x1xf32>
    %get3A_10 = arith.constant 0 : index
    %get3A_11 = arith.constant 0 : index
    %get3A_12 = vector.load %arg1[%get3A_10, %get3A_11] : memref<1000x32xf32, #tpu.memory_space<vmem>>, vector<1000x32xf32>
    %get3A_13 = arith.constant 0 : index
    %get3A_14 = arith.constant 0 : index
    %get3A_15 = vector.load %arg2[%get3A_13, %get3A_14] : memref<1000x32xf32, #tpu.memory_space<vmem>>, vector<1000x32xf32>
    %concatenate3A = tpu.concatenate %get3A_12, %get3A_15 in 1 : vector<1000x32xf32>, vector<1000x32xf32> -> vector<1000x64xf32>
    %mul3A = vector.broadcast %div3A_9 : vector<1000x1xf32> to vector<1000x64xf32>
    %mul3A_16 = arith.mulf %concatenate3A, %mul3A : vector<1000x64xf32>
    %get3A_17 = arith.constant 0 : index
    %get3A_18 = arith.constant 0 : index
    %get3A_19 = vector.load %arg6[%get3A_17, %get3A_18] : memref<1x64xf32, #tpu.memory_space<vmem>>, vector<1x64xf32>
    %add3A_20 = vector.broadcast %get3A_19 : vector<1x64xf32> to vector<1000x64xf32>
    %add3A_21 = arith.addf %mul3A_16, %add3A_20 : vector<1000x64xf32>
    %get3A_22 = arith.constant 0 : index
    %get3A_23 = arith.constant 0 : index
    %get3A_24 = vector.load %arg5[%get3A_22, %get3A_23] : memref<1000x64xf32, #tpu.memory_space<vmem>>, vector<1000x64xf32>
    %add3A_25 = arith.addf %add3A_21, %get3A_24 : vector<1000x64xf32>
    %max3A_26 = arith.constant 0.000000e+00 : f32
    %max3A_27 = vector.broadcast %max3A_26 : f32 to vector<1000x64xf32>
    %max3A_28 = arith.maximumf %add3A_25, %max3A_27 : vector<1000x64xf32>
    %get3A_29 = arith.constant 0 : index
    %get3A_30 = arith.constant 0 : index
    %get3A_31 = vector.load %arg7[%get3A_29, %get3A_30] : memref<64x128xf32, #tpu.memory_space<vmem>>, vector<64x128xf32>
    %dot_general3A = arith.constant dense<0.000000e+00> : vector<1000x128xf32>
    %dot_general3A_32 = tpu.matmul %max3A_28, %get3A_31, %dot_general3A {dimension_numbers = #tpu.dot_dimension_numbers<[1], [0], [0], [1], [0, 0, 1, 1], [], []>, transpose_lhs_hint = false} : vector<1000x64xf32>, vector<64x128xf32>, vector<1000x128xf32> -> vector<1000x128xf32>
    %get3A_33 = arith.constant 0 : index
    %get3A_34 = arith.constant 0 : index
    %get3A_35 = vector.load %arg8[%get3A_33, %get3A_34] : memref<1x128xf32, #tpu.memory_space<vmem>>, vector<1x128xf32>
    %add3A_36 = vector.broadcast %get3A_35 : vector<1x128xf32> to vector<1000x128xf32>
    %add3A_37 = arith.addf %dot_general3A_32, %add3A_36 : vector<1000x128xf32>
    %swap3A = arith.constant 0 : index
    %swap3A_38 = arith.constant 0 : index
    %swap3A_39 = vector.load %arg9[%swap3A, %swap3A_38] : memref<1000x128xf32, #tpu.memory_space<vmem>>, vector<1000x128xf32>
    tpu.vector_store %arg9[%swap3A, %swap3A_38], %add3A_37 {strides = array<i32>} : memref<1000x128xf32, #tpu.memory_space<vmem>>, vector<1000x128xf32>,
    return
  }
  func.func @transform_0(%arg0: i32) -> (i32, i32) {
    %c0_i32 = arith.constant 0 : i32
    %c0_i32_0 = arith.constant 0 : i32
    return %arg0, %c0_i32 : i32, i32
  }
  func.func @transform_1(%arg0: i32) -> (i32, i32) {
    %c0_i32 = arith.constant 0 : i32
    %c0_i32_0 = arith.constant 0 : i32
    return %arg0, %c0_i32 : i32, i32
  }
  func.func @transform_2(%arg0: i32) -> (i32, i32) {
    %c0_i32 = arith.constant 0 : i32
    %c0_i32_0 = arith.constant 0 : i32
    return %arg0, %c0_i32 : i32, i32
  }
  func.func @transform_3(%arg0: i32) -> (i32, i32) {
    %c0_i32 = arith.constant 0 : i32
    %c0_i32_0 = arith.constant 0 : i32
    return %arg0, %c0_i32 : i32, i32
  }
  func.func @transform_4(%arg0: i32) -> (i32, i32) {
    %c0_i32 = arith.constant 0 : i32
    %c0_i32_0 = arith.constant 0 : i32
    return %arg0, %c0_i32 : i32, i32
  }
  func.func @transform_5(%arg0: i32) -> (i32, i32) {
    %c0_i32 = arith.constant 0 : i32
    %c0_i32_0 = arith.constant 0 : i32
    %c0_i32_1 = arith.constant 0 : i32
    return %c0_i32, %c0_i32_0 : i32, i32
  }
  func.func @transform_6(%arg0: i32) -> (i32, i32) {
    %c0_i32 = arith.constant 0 : i32
    %c0_i32_0 = arith.constant 0 : i32
    %c0_i32_1 = arith.constant 0 : i32
    return %c0_i32, %c0_i32_0 : i32, i32
  }
  func.func @transform_7(%arg0: i32) -> (i32, i32) {
    %c0_i32 = arith.constant 0 : i32
    %c0_i32_0 = arith.constant 0 : i32
    %c0_i32_1 = arith.constant 0 : i32
    return %c0_i32, %c0_i32_0 : i32, i32
  }
  func.func @transform_8(%arg0: i32) -> (i32, i32) {
    %c0_i32 = arith.constant 0 : i32
    %c0_i32_0 = arith.constant 0 : i32
    return %arg0, %c0_i32 : i32, i32
  }
}

</mosaic_0001>

<sc_bundles>
// kernel: kernel.12.cloned.1.call-start
scs
__scs_entry_jumppad:
0x0: {  	(pc) =	sbr.rel $0x88, $3  }
0x1: {  	(tag) =	ssettag $0x0;
	lr =	simm.s32 $0x1  }
0x2: {  	[smem:$0x3F94] =	sst lr;
	_ =	strace $0xD0000000  }
0x3: {  	_ = 	snop  }
0x4: {  	_ = 	snop  }
0x5: {  	_ = 	snop  }
0x6: {  	_ = 	snop  }
0x7: {  	_ = 	snop  }
__scs_overlays_trampoline_lowered:
0x8: {  	[smem:$0x3FA3] =	sst s0  }
0x9: {  	[smem:$0x3FA4] =	sst s1  }
0xa: {  	[smem:$0x3FA5] =	sst s2  }
0xb: {  	[smem:$0x3FA6] =	sst s3  }
0xc: {  	[smem:$0x3FA7] =	sst s4  }
0xd: {  	[smem:$0x3FA8] =	sst s5  }
0xe: {  	[smem:$0x3FA9] =	sst s6  }
0xf: {  	[smem:$0x3FAA] =	sst s7  }
0x10: {  	[smem:$0x3FAB] =	sst s8  }
0x11: {  	[smem:$0x3FAC] =	sst s9;
	s0 =	simm.s32 @!p0 $0x0  }
0x12: {  	s1 =	sld [smem:$0x3F92];
	s0 =	simm.s32 @p0 $0x1  }
0x13: {  	[smem:$0x3FAD] =	sst s0;
	s0 =	simm.s32 @!p1 $0x0  }
0x14: {  	s2 =	sld [smem:$0x3F91];
	s0 =	simm.s32 @p1 $0x1  }
0x15: {  	[smem:$0x3FAE] =	sst s0;
	s0 =	simm.s32 @!p2 $0x0  }
0x16: {  	s3 =	sld [smem:$0x3FDB];
	s0 =	simm.s32 @p2 $0x1  }
0x17: {  	s4 =	simm.s32 $0x1BF5;
	[smem:$0x3FB0] =	sst s0  }
0x18: {  	s0 =	sld [smem:$0x3F93];
	_ =	swait.ge [sflag:s4], $0x0  }
0x19: {  	s7 =	sld [smem:$0x3F94]  }
0x1a: {  	s8 =	sadd.s32 $0xFFFFE003, lr  }
0x1b: {  	s9 =	sadd.s32 $0xFFFFFEF7, lr;
	s5 =	simm.s32 $0xFFFFFFFF;
	p2 =	slt.u32 s8, $0xFFFFF086  }
0x1c: {  	p1 =	slt.u32 s9, $0xF7A;
	s5 =	simm.s32 @!p2 $0x0  }
0x1d: {  	s5 =	simm.s32 @p1 $0x1;
	p0 =	seq.s32 s7, s2  }
0x1e: {  	s7 =	smul.u32 @!p0 $0xF7A, s2;
	p2 =	seq.s32 @!p0 s5, $0x0  }
0x1f: {  	s9 =	smul.u32 $0xF7A, s1;
	s8 =	simm.s32 @!p0 $0x1BF5;
	p2 =	por !p2, p0  }
0x20: {  	[sflag:s8] =	ssyncset.s32 @!p0 $0xFFFFF086;
	s6 =	sadd.s32 @!p0 s3, s7;
	s7 =	simm.s32 @!p0 $0x108  }
0x21: {  	s3 =	sadd.s32 s3, s9;
	s6 =	sadd.s32 @!p0 $0x88, s6;
	s7 =	simm.s32 @p2 $0x1082  }
0x22: {  	[simem:s7], [sflag:s8] =	dma.local @!p0 [hbm:s6], $0xF7A  }
0x23: {  	s9 =	sor.u32 $0xD0000000, s2;
	s6 =	simm.s32 $0x108;
	_ =	swait.ge @!p0 [sflag:s8], $0x0  }
0x24: {  	s3 =	sadd.s32 $0x88, s3;
	s6 =	simm.s32 @!p1 $0x1082;
	[sflag:s4] =	ssyncset.s32 $0xFFFFF086  }
0x25: {  	[simem:s6], [sflag:s4] =	dma.local [hbm:s3], $0xF7A  }
0x26: {  	[smem:$0x3F94] =	sst s1;
	(tag) =	ssettag s2;
	_ =	strace s9  }
0x27: {  	s1 =	sld [smem:$0x3FA4]  }
0x28: {  	s2 =	sld [smem:$0x3FA5]  }
0x29: {  	s4 =	sld [smem:$0x3FA7]  }
0x2a: {  	p0 =	seq.s32 s5, $0x0;
	s5 =	sld [smem:$0x3FA8]  }
0x2b: {  	s6 =	sld [smem:$0x3FA9]  }
0x2c: {  	s7 =	sld [smem:$0x3FAA]  }
0x2d: {  	s3 =	simm.s32 $0x108;
	s8 =	sld [smem:$0x3FAB]  }
0x2e: {  	s3 =	simm.s32 @!p0 $0x1082;
	s9 =	sld [smem:$0x3FAC]  }
0x2f: {  	lr =	sadd.s32 s0, s3;
	s0 =	sld [smem:$0x3FA3]  }
0x30: {  	s3 =	sld [smem:$0x3FA6]  }
0x31: {  	[smem:$0x3FAF] =	sst s10  }
0x32: {  	s10 =	sld [smem:$0x3FAD];
	_ =	sdelay $0x3  }
0x33: {  	p0 =	seq.s32 s10, $0x1;
	s10 =	sld [smem:$0x3FAF];
	_ =	sdelay $0x3  }
0x34: {  	[smem:$0x3FAF] =	sst s10  }
0x35: {  	s10 =	sld [smem:$0x3FAE];
	_ =	sdelay $0x3  }
0x36: {  	p1 =	seq.s32 s10, $0x1;
	s10 =	sld [smem:$0x3FAF];
	_ =	sdelay $0x3  }
0x37: {  	[smem:$0x3FAF] =	sst s10  }
0x38: {  	s10 =	sld [smem:$0x3FB0]  }
0x39: {  	_ = 	snop;
	(pc) =	sbr.ind lr, $3  }
0x3a: {  	_ = 	snop  }
0x3b: {  	_ = 	snop  }
0x3c: {  	p2 =	seq.s32 s10, $0x1;
	s10 =	sld [smem:$0x3FAF]  }
0x3d: {  	_ =	shalt  }
0x3e: {  	_ =	shalt  }
0x3f: {  	_ =	shalt  }
0x40: {  	_ =	shalt  }
0x41: {  	_ =	shalt  }
0x42: {  	_ =	shalt  }
0x43: {  	_ =	shalt  }
0x44: {  	_ =	shalt  }
0x45: {  	_ =	shalt  }
0x46: {  	_ =	shalt  }
0x47: {  	_ =	shalt  }
0x48: {  	_ =	shalt  }
0x49: {  	_ =	shalt  }
0x4a: {  	_ =	shalt  }
0x4b: {  	_ =	shalt  }
0x4c: {  	_ =	shalt  }
0x4d: {  	_ =	shalt  }
0x4e: {  	_ =	shalt  }
0x4f: {  	_ =	shalt  }
0x50: {  	_ =	shalt  }
0x51: {  	_ =	shalt  }
0x52: {  	_ =	shalt  }
0x53: {  	_ =	shalt  }
0x54: {  	_ =	shalt  }
0x55: {  	_ =	shalt  }
0x56: {  	_ =	shalt  }
0x57: {  	_ =	shalt  }
0x58: {  	_ =	shalt  }
0x59: {  	_ =	shalt  }
0x5a: {  	_ =	shalt  }
0x5b: {  	_ =	shalt  }
0x5c: {  	_ =	shalt  }
0x5d: {  	_ =	shalt  }
0x5e: {  	_ =	shalt  }
0x5f: {  	_ =	shalt  }
0x60: {  	_ =	shalt  }
0x61: {  	_ =	shalt  }
0x62: {  	_ =	shalt  }
0x63: {  	_ =	shalt  }
0x64: {  	_ =	shalt  }
0x65: {  	_ =	shalt  }
0x66: {  	_ =	shalt  }
0x67: {  	_ =	shalt  }
0x68: {  	_ =	shalt  }
0x69: {  	_ =	shalt  }
0x6a: {  	_ =	shalt  }
0x6b: {  	_ =	shalt  }
0x6c: {  	_ =	shalt  }
0x6d: {  	_ =	shalt  }
0x6e: {  	_ =	shalt  }
0x6f: {  	_ =	shalt  }
0x70: {  	_ =	shalt  }
0x71: {  	_ =	shalt  }
0x72: {  	_ =	shalt  }
0x73: {  	_ =	shalt  }
0x74: {  	_ =	shalt  }
0x75: {  	_ =	shalt  }
0x76: {  	_ =	shalt  }
0x77: {  	_ =	shalt  }
0x78: {  	_ =	shalt  }
0x79: {  	_ =	shalt  }
0x7a: {  	_ =	shalt  }
0x7b: {  	_ =	shalt  }
0x7c: {  	_ =	shalt  }
0x7d: {  	_ =	shalt  }
0x7e: {  	_ =	shalt  }
0x7f: {  	_ =	shalt  }
0x80: {  	_ =	shalt  }
0x81: {  	_ =	shalt  }
0x82: {  	_ =	shalt  }
0x83: {  	_ =	shalt  }
0x84: {  	_ =	shalt  }
0x85: {  	_ =	shalt  }
0x86: {  	_ =	shalt  }
0x87: {  	_ =	shalt  }
.Lfunc_end0:
.L_simem_size_0:
called_computation.1_lowered:
.L_overlay_start_0:
0x88: {  	s2 =	sld [smem:$0x3FD9]  }
0x89: {  	s3 =	sld [smem:$0x3FFE];
	_ =	sdelay $0x1  }
0x8a: {  	s1 =	srdreg.scid  }
0x8b: {  	s0 =	sand.u32 $0x1, s1  }
0x8c: {  	s17 =	sshll.u32 s0, $0xA;
	s2 =	sadd.s32 s3, s2  }
0x8d: {  	s2 =	sadd.s32 s2, s17  }
0x8e: {  	[smem:$0x3FBB] =	sst s2  }
0x8f: {  	_ = 	snop  }
0x90: {  	s2 =	sld [smem:$0x3FD0];
	(tm) =	ssettm $0x1  }
0x91: {  	s18 =	sld [smem:$0x3FFB];
	_ =	sdelay $0x3  }
0x92: {  	_ =	strace s18  }
0x93: {  	s3 =	sld [smem:$0x3FFC];
	_ =	sdelay $0x3  }
0x94: {  	_ =	strace s3  }
0x95: {  	s3 =	sld [smem:$0x3FFD];
	_ =	sdelay $0x3  }
0x96: {  	_ =	strace s3  }
0x97: {  	_ =	strace $0x8FFFFFFF  }
0x98: {  	s19 =	sld [smem:$0x3FDB];
	_ =	sdelay $0x1  }
0x99: {  	s4 =	simm.s32 $_scs_section_size  }
0x9a: {  	s5 =	simm.s32 $_size__tile_overlayer_lowered;
	s6 =	simm.s32 $_tile_overlayer_lowered  }
0x9b: {  	s22 =	simm.s32 $0x1BFF;
	s21 =	sshll.u32 s6, $0x1;
	s3 =	sadd.s32 s4, s19  }
0x9c: {  	s7 =	simm.s32 $0x0;
	s20 =	sshll.u32 s5, $0x1;
	s5 =	sadd.s32 s21, s3  }
0x9d: {  	[timem:s7], [sflag:s22] =	dma.local [hbm:s5], s20  }
0x9e: {  	_ =	swait.ge [sflag:s22], s20  }
0x9f: {  	s4 =	ssub.s32 $0x0, s20;
	[sflag:s22] =	ssyncset.done $0x0  }
0xa0: {  	[sflag:s22] =	ssyncadd.s32 s4;
	_ =	sdelay $0x1  }
0xa1: {  	s23 =	simm.s32 $0x1B8B  }
0xa2: {  	_ =	swait.ge [sflag:s23], $0x1  }
0xa3: {  	[sflag:s23] =	ssyncset.done $0x0  }
0xa4: {  	s25 =	simm.s32 $0x1B8E;
	s24 =	sld [smem:$0x3FFE];
	[sflag:s23] =	ssyncadd.s32 $0xFFFFFFFF  }
0xa5: {  	s26 =	simm.s32 $execute0_lowered;
	[smem:$0x3FD2] =	sst s25  }
0xa6: {  	s5 =	sshll.u32 s26, $0x1;
	_ =	strace $0x80000049;
	[dreg:$0x1] =	wrdreg $0xFFFFFFFF  }
0xa7: {  	s28 =	simm.s32 $_size_execute0_lowered;
	s3 =	sadd.s32 s3, s5;
	[dreg:$0x0] =	wrdreg $0x0  }
0xa8: {  	s5 =	sshll.u32 s28, $0x1;
	[dreg:$0x2] =	wrdreg s3  }
0xa9: {  	[dreg:$0x3] =	wrdreg s5  }
0xaa: {  	[dreg:$0x4] =	wrdreg $0xC0  }
0xab: {  	_ =	task [dreg:s7], $0x5FFFF  }
0xac: {  	[dreg:$0x1] =	wrdreg $0xFFFFFFFF  }
0xad: {  	[dreg:$0x0] =	wrdreg $0x60  }
0xae: {  	[dreg:$0x2] =	wrdreg s24  }
0xaf: {  	[dreg:$0x3] =	wrdreg s2  }
0xb0: {  	[dreg:$0x4] =	wrdreg $0x0  }
0xb1: {  	[dreg:$0x5] =	wrdreg $0x9E000  }
0xb2: {  	[dreg:$0x6] =	wrdreg $0x9  }
0xb3: {  	_ =	task.clear_ibuf [dreg:s7], $0x7FFFF;
	_ =	strace $0x90000049  }
0xb4: {  	s29 =	simm.s32 $0x9;
	_ =	strace $0x8000004B  }
0xb5: {  	_ =	swait.ge [sflag:s29], $0x1  }
0xb6: {  	[sflag:s29] =	ssyncadd.s32 $0xFFFFFFFF  }
0xb7: {  	_ =	strace $0x9000004B  }
0xb8: {  	_ =	sfence  }
0xb9: {  	s30 =	sld [smem:$0x0];
	_ =	sdelay $0x2  }
0xba: {  	s31 =	sshll.u32 s1, $0xD;
	s1 =	sshrl.u32 s1, $0x2  }
0xbb: {  	s3 =	sand.u32 $0x4000, s31;
	s1 =	sadd.s32 s1, s30  }
0xbc: {  	s0 =	sor.u32 s3, s0;
	s1 =	sshll.u32 s1, $0x11  }
0xbd: {  	s0 =	sor.u32 s1, s0  }
0xbe: {  	s0 =	sadd.s32 $0x8F2B, s0  }
0xbf: {  	[sflag:s0] =	ssyncadd.remote.s32 $0x1  }
0xc0: {  	_ =	sfence.sel $0xFFFF  }
0xc1: {  	[dreg:$0x0] =	wrdreg $0xFFFFFFFF;
	(pc) =	sbr.abs _section_cstart, $3  }
0xc2: {  	[dreg:$0x1] =	wrdreg $0xFFFFFFFF  }
0xc3: {  	_ =	task.clear_ibuf [dreg:s7], $0x2FFFF;
	_ =	strace $0x9FFFFFFF  }
0xc4: {  	(tm) =	ssettm $0x7FFFFFFF  }
0xc5: {  	_ =	shalt  }
tec
execute0_lowered:
.L_overlay_start_1:
0x0: {  	(tag) =	ssettag $0x1  }
0x1: {  	s0 =	rddreg [dreg:$0x0]  }
0x2: {  	s1 =	rddreg [dreg:$0x1]  }
0x3: {  	s2 =	rddreg [dreg:$0x2]  }
0x4: {  	s3 =	rddreg [dreg:$0x3]  }
0x5: {  	s4 =	simm.s32 $0x0;
	s7 =	srdreg.scid;
	s5 =	stileid.u32  }
0x6: {  	s17 =	simm.s32 $0x40;
	s18 =	simm.s32 $0x15C00;
	s19 =	simm.s32 $0x13C40  }
0x7: {  	s20 =	simm.s32 $0x16C00;
	s21 =	simm.s32 $0x13C80;
	s22 =	simm.s32 $0x17C00  }
0x8: {  	s23 =	simm.s32 $0x13CC0;
	s24 =	simm.s32 $0x18C00;
	s25 =	simm.s32 $0x1  }
0x9: {  	s26 =	simm.s32 $0x2;
	[smem:$0x7FF] =	sst s4;
	s10 =	sadd.s32 $0x52600, s0  }
0xa: {  	s11 =	sadd.s32 $0x3EA00, s0;
	s6 =	sadd.s32 $0x34A00, s0;
	s8 =	sand.u32 $0x1, s7  }
0xb: {  	s7 =	sadd.s32 $0x2AA00, s0;
	s12 =	smul.u32 $0x9E00, s5;
	s13 =	sadd.s32 $0xABE00, s0  }
0xc: {  	s0 =	sadd.s32 $0x98200, s0;
	s31 =	sshll.u32 s5, $0x6;
	_ =	strace $0x8000004A  }
0xd: {  	s9 =	ssub.s32 $0x2, s8;
	p0 =	seq.s32 s8, $0x0;
	s8 =	smul.u32 $0x5000, s5  }
0xe: {  	s14 =	sshrl.u32 s9, $0x1;
	s30 =	sadd.s32 s12, s2;
	s15 =	sshrl.u32 s12, $0x3  }
0xf: {  	s16 =	sadd.s32 s12, s3;
	s11 =	smov.u32 @p0 s10;
	s0 =	smov.u32 @p0 s13  }
0x10: {  	s9 =	ssub.s32 s9, s14;
	s10 =	sadd.s32 s11, s15;
	s11 =	sor.u32 $0x1C03, s31  }
0x11: {  	s12 =	sadd.s32 s0, s15;
	s13 =	sshrl.u32 s30, $0x3;
	s14 =	simm.s32 $0x3  }
0x12: {  	s15 =	sshrl.u32 s16, $0x3;
	s16 =	simm.s32 $0x13C00;
	s9 =	smax.u32 s9, $0x1  }
.LBB2_1:
0x13: {  	[spmem:s13], [sflag:s11] =	dma.local [hbm:s10], $0x13C0  }
0x14: {  	_ =	swait.ge [sflag:s14], $0x13C0  }
0x15: {  	[sflag:s14] =	ssyncset.done $0x0  }
0x16: {  	[sflag:s14] =	ssyncadd.s32 $0xFFFFEC40  }
0x17: {  	[spmem:s15], [sflag:s11] =	dma.local [hbm:s1], $0x13C0  }
0x18: {  	_ =	swait.ge [sflag:s14], $0x13C0  }
0x19: {  	[sflag:s14] =	ssyncset.done $0x0  }
0x1a: {  	[sflag:s14] =	ssyncadd.s32 $0xFFFFEC40  }
0x1b: {  	s28 =	simm.s32 $0x0;
	[bflag:$0x0] =	sbarrier.arrive $0xFFFF  }
.LBB2_2:
0x1c: {  	s0 =	sshll.u32 s28, $0xC  }
0x1d: {  	s0 =	sadd.s32 s8, s0  }
0x1e: {  	s0 =	sshrl.u32 s0, $0x3  }
0x1f: {  	s29 =	simm.s32 $0x0;
	s30 =	sadd.s32 s6, s0  }
0x20: {  	[tilespmem:s16], [sflag:$0x3] =	stream.linear.gather [hbm4b:s30+s29], $0x1000, $0x38;
	[tilespmem:$0x1AC00] =	vst v63  }
0x21: {  	_ =	swait.ge [sflag:s14], $0x1000  }
0x22: {  	[sflag:s14] =	ssyncset.done $0x0  }
0x23: {  	s0 =	sadd.s32 s7, s0;
	s30 =	simm.s32 $0x14C00;
	[sflag:s14] =	ssyncadd.s32 $0xFFFFF000  }
0x24: {  	[tilespmem:s30], [sflag:$0x3] =	stream.linear.gather [hbm4b:s0+s29], $0x1000, $0x38;
	[tilespmem:$0x1AC00] =	vst v63  }
0x25: {  	_ =	swait.ge [sflag:s14], $0x1000  }
0x26: {  	[sflag:s14] =	ssyncset.done $0x0  }
0x27: {  	[sflag:s14] =	ssyncadd.s32 $0xFFFFF000  }
0x28: {  	[tilespmem:s18], [sflag:$0x1] =	stream.indirect.gather [spmem:s2], $0x40, s16, s17, $0xb8;
	[tilespmem:$0x1AC00] =	vst v63  }
0x29: {  	_ = 	snop  }
0x2a: {  	[tilespmem:s20], [sflag:$0x1] =	stream.indirect.gather [spmem:s2], $0x40, s19, s17, $0xb8;
	[tilespmem:$0x1AC00] =	vst v63  }
0x2b: {  	_ = 	snop  }
0x2c: {  	[tilespmem:s22], [sflag:$0x1] =	stream.indirect.gather [spmem:s2], $0x40, s21, s17, $0xb8;
	[tilespmem:$0x1AC00] =	vst v63  }
0x2d: {  	s31 =	simm.s32 $0x13D00  }
0x2e: {  	[tilespmem:s24], [sflag:$0x1] =	stream.indirect.gather [spmem:s2], $0x40, s23, s17, $0xb8;
	[tilespmem:$0x1AC00] =	vst v63  }
.LBB2_3:
0x2f: {  	_ =	swait.ge [sflag:s25], $0x1000  }
0x30: {  	p0 =	seq.s32 s29, $0x0;
	[sflag:s25] =	ssyncset.done $0x0  }
0x31: {  	s5 =	simm.s32 @!p0 $0x2;
	[sflag:s25] =	ssyncadd.s32 $0xFFFFF000  }
0x32: {  	s0 =	smul.u32 $0xCD, s29;
	p1 =	sgt.u32 @!p0 s29, $0x3B;
	_ =	swait.ge @!p0 [sflag:s5], $0x1000  }
0x33: {  	p1 =	por p0, !p1;
	[sflag:s5] =	ssyncset.done @!p0 $0x0  }
0x34: {  	[sflag:s5] =	ssyncadd.s32 @!p0 $0xFFFFF000;
	s5 =	sadd.s32 @p1 $0x334, s0  }
0x35: {  	s5 =	sshrl.u32 @p1 s5, $0xA  }
0x36: {  	s5 =	sand.u32 @p1 $0x3F, s5  }
0x37: {  	s0 =	sshrl.u32 s0, $0xA;
	s5 =	smul.u32 @p1 $0x5, s5  }
0x38: {  	s0 =	sand.u32 $0x3F, s0  }
0x39: {  	s0 =	smul.u32 $0x5, s0;
	s5 =	ssub.s32 @p1 s29, s5  }
0x3a: {  	s5 =	sadd.s32 @p1 $0x4, s5  }
0x3b: {  	s0 =	ssub.s32 s29, s0;
	s29 =	sadd.s32 $0x1, s29;
	s5 =	sand.u32 @p1 $0xFF, s5  }
0x3c: {  	s0 =	sand.u32 $0xFF, s0;
	p0 =	sne.s32 s29, $0x40;
	s5 =	sshll.u32 @p1 s5, $0xC  }
.Ltmp0:
0x3d: {  	s0 =	sshll.u32 s0, $0xC;
	s5 =	sadd.s32 @p1 $0x15C00, s5;
	(pc) =	sbr.rel @p0 .LBB2_3-.Ltmp0, $4  }
0x3e: {  	[tilespmem:s5], [sflag:$0x1] =	stream.indirect.gather @p1 [spmem:s2], $0x40, s31, s17, $0xb8;
	[tilespmem:$0x1AC00] =	vst v63  }
0x3f: {  	s0 =	sadd.s32 $0x15C00, s0  }
0x40: {  	[spmem:s3] =	stream.indirect.scatter.add.f32 [tilespmem:s0], [sflag:$0x2], $0x40, s30, s17, $0xb8;
	[tilespmem:$0x1AC00] =	vst v63  }
0x41: {  	s31 =	sadd.s32 $0x40, s31;
	s30 =	sadd.s32 $0x40, s30  }
0x42: {  	s28 =	sadd.s32 $0x1, s28  }
0x43: {  	p0 =	sne.s32 s28, $0x5  }
.Ltmp1:
0x44: {  	_ = 	snop;
	(pc) =	sbr.rel @p0 .LBB2_2-.Ltmp1, $4  }
0x45: {  	_ = 	snop  }
0x46: {  	_ =	swait.ge [sflag:s26], $0x1000  }
0x47: {  	[sflag:s26] =	ssyncset.done $0x0  }
0x48: {  	[sflag:s26] =	ssyncadd.s32 $0xFFFFF000  }
0x49: {  	s4 =	sadd.s32 $0x1, s4  }
0x4a: {  	p0 =	sne.s32 s4, s9  }
.Ltmp2:
0x4b: {  	[bflag:$0x0] =	sbarrier.arrive $0xFFFF;
	(pc) =	sbr.rel @p0 .LBB2_1-.Ltmp2, $4  }
0x4c: {  	[hbm:s12], [sflag:s11] =	dma.local [spmem:s15], $0x13C0  }
0x4d: {  	_ =	swait.ge [sflag:s14], $0x13C0  }
0x4e: {  	[sflag:s14] =	ssyncset.done $0x0  }
0x4f: {  	[sflag:s14] =	ssyncadd.s32 $0xFFFFEC40  }
0x50: {  	_ =	sfence.sel $0x180000  }
0x51: {  	[bflag:$0x0] =	sbarrier.arrive $0xFFFF  }
0x52: {  	_ =	strace $0x9000004A  }
0x53: {  	s0 =	stileid.u32;
	[bflag:$0x2] =	sbarrier.arrive $0xFFFF  }
0x54: {  	p0 =	sne.s32 s0, $0x0;
	s0 =	rddreg [dreg:$0x4]  }
0x55: {  	s0 =	sadd.s32 @!p0 $0x100000, s0  }
0x56: {  	[sflag:s0] =	ssyncadd.tile.s32 @!p0 $0x1;
	_ =	shalt  }
.Lfunc_end2:
_tile_overlayer_lowered:
.L_overlay_start_2:
0x57: {  	(tag) =	ssettag $0x2  }
0x58: {  	s0 =	rddreg [dreg:$0x0];
	s2 =	stileid.u32  }
0x59: {  	s1 =	rddreg [dreg:$0x1];
	p0 =	sne.s32 s2, $0x0  }
0x5a: {  	s3 =	rddreg [dreg:$0x2];
	[bflag:$0x3] =	sbarrier.arrive $0xFFFF;
	s2 =	simm.s32 @!p0 $0x1C03  }
0x5b: {  	[timem:s3], [sflag:s2] =	dma.local @!p0 [hbm:s0], s1  }
0x5c: {  	s0 =	simm.s32 @!p0 $0x3  }
0x5d: {  	_ =	swait.ge @!p0 [sflag:s0], s1  }
0x5e: {  	s1 =	ssub.s32 @!p0 $0x0, s1;
	[sflag:s0] =	ssyncset.done @!p0 $0x0  }
0x5f: {  	[sflag:s0] =	ssyncadd.s32 @!p0 s1  }
0x60: {  	[bflag:$0x3] =	sbarrier.arrive $0xFFFF  }
0x61: {  	_ =	shalt  }

// kernel: kernel.15.cloned.1.call-start
scs
__scs_entry_jumppad:
0x0: {  	(pc) =	sbr.rel $0x88, $3  }
0x1: {  	(tag) =	ssettag $0x0;
	lr =	simm.s32 $0x1  }
0x2: {  	[smem:$0x3F94] =	sst lr;
	_ =	strace $0xD0000000  }
0x3: {  	_ = 	snop  }
0x4: {  	_ = 	snop  }
0x5: {  	_ = 	snop  }
0x6: {  	_ = 	snop  }
0x7: {  	_ = 	snop  }
__scs_overlays_trampoline_lowered:
0x8: {  	[smem:$0x3FA3] =	sst s0  }
0x9: {  	[smem:$0x3FA4] =	sst s1  }
0xa: {  	[smem:$0x3FA5] =	sst s2  }
0xb: {  	[smem:$0x3FA6] =	sst s3  }
0xc: {  	[smem:$0x3FA7] =	sst s4  }
0xd: {  	[smem:$0x3FA8] =	sst s5  }
0xe: {  	[smem:$0x3FA9] =	sst s6  }
0xf: {  	[smem:$0x3FAA] =	sst s7  }
0x10: {  	[smem:$0x3FAB] =	sst s8  }
0x11: {  	[smem:$0x3FAC] =	sst s9;
	s0 =	simm.s32 @!p0 $0x0  }
0x12: {  	s1 =	sld [smem:$0x3F92];
	s0 =	simm.s32 @p0 $0x1  }
0x13: {  	[smem:$0x3FAD] =	sst s0;
	s0 =	simm.s32 @!p1 $0x0  }
0x14: {  	s2 =	sld [smem:$0x3F91];
	s0 =	simm.s32 @p1 $0x1  }
0x15: {  	[smem:$0x3FAE] =	sst s0;
	s0 =	simm.s32 @!p2 $0x0  }
0x16: {  	s3 =	sld [smem:$0x3FDB];
	s0 =	simm.s32 @p2 $0x1  }
0x17: {  	s4 =	simm.s32 $0x1BF5;
	[smem:$0x3FB0] =	sst s0  }
0x18: {  	s0 =	sld [smem:$0x3F93];
	_ =	swait.ge [sflag:s4], $0x0  }
0x19: {  	s7 =	sld [smem:$0x3F94]  }
0x1a: {  	s8 =	sadd.s32 $0xFFFFE003, lr  }
0x1b: {  	s9 =	sadd.s32 $0xFFFFFEF7, lr;
	s5 =	simm.s32 $0xFFFFFFFF;
	p2 =	slt.u32 s8, $0xFFFFF086  }
0x1c: {  	p1 =	slt.u32 s9, $0xF7A;
	s5 =	simm.s32 @!p2 $0x0  }
0x1d: {  	s5 =	simm.s32 @p1 $0x1;
	p0 =	seq.s32 s7, s2  }
0x1e: {  	s7 =	smul.u32 @!p0 $0xF7A, s2;
	p2 =	seq.s32 @!p0 s5, $0x0  }
0x1f: {  	s9 =	smul.u32 $0xF7A, s1;
	s8 =	simm.s32 @!p0 $0x1BF5;
	p2 =	por !p2, p0  }
0x20: {  	[sflag:s8] =	ssyncset.s32 @!p0 $0xFFFFF086;
	s6 =	sadd.s32 @!p0 s3, s7;
	s7 =	simm.s32 @!p0 $0x108  }
0x21: {  	s3 =	sadd.s32 s3, s9;
	s6 =	sadd.s32 @!p0 $0x88, s6;
	s7 =	simm.s32 @p2 $0x1082  }
0x22: {  	[simem:s7], [sflag:s8] =	dma.local @!p0 [hbm:s6], $0xF7A  }
0x23: {  	s9 =	sor.u32 $0xD0000000, s2;
	s6 =	simm.s32 $0x108;
	_ =	swait.ge @!p0 [sflag:s8], $0x0  }
0x24: {  	s3 =	sadd.s32 $0x88, s3;
	s6 =	simm.s32 @!p1 $0x1082;
	[sflag:s4] =	ssyncset.s32 $0xFFFFF086  }
0x25: {  	[simem:s6], [sflag:s4] =	dma.local [hbm:s3], $0xF7A  }
0x26: {  	[smem:$0x3F94] =	sst s1;
	(tag) =	ssettag s2;
	_ =	strace s9  }
0x27: {  	s1 =	sld [smem:$0x3FA4]  }
0x28: {  	s2 =	sld [smem:$0x3FA5]  }
0x29: {  	s4 =	sld [smem:$0x3FA7]  }
0x2a: {  	p0 =	seq.s32 s5, $0x0;
	s5 =	sld [smem:$0x3FA8]  }
0x2b: {  	s6 =	sld [smem:$0x3FA9]  }
0x2c: {  	s7 =	sld [smem:$0x3FAA]  }
0x2d: {  	s3 =	simm.s32 $0x108;
	s8 =	sld [smem:$0x3FAB]  }
0x2e: {  	s3 =	simm.s32 @!p0 $0x1082;
	s9 =	sld [smem:$0x3FAC]  }
0x2f: {  	lr =	sadd.s32 s0, s3;
	s0 =	sld [smem:$0x3FA3]  }
0x30: {  	s3 =	sld [smem:$0x3FA6]  }
0x31: {  	[smem:$0x3FAF] =	sst s10  }
0x32: {  	s10 =	sld [smem:$0x3FAD];
	_ =	sdelay $0x3  }
0x33: {  	p0 =	seq.s32 s10, $0x1;
	s10 =	sld [smem:$0x3FAF];
	_ =	sdelay $0x3  }
0x34: {  	[smem:$0x3FAF] =	sst s10  }
0x35: {  	s10 =	sld [smem:$0x3FAE];
	_ =	sdelay $0x3  }
0x36: {  	p1 =	seq.s32 s10, $0x1;
	s10 =	sld [smem:$0x3FAF];
	_ =	sdelay $0x3  }
0x37: {  	[smem:$0x3FAF] =	sst s10  }
0x38: {  	s10 =	sld [smem:$0x3FB0]  }
0x39: {  	_ = 	snop;
	(pc) =	sbr.ind lr, $3  }
0x3a: {  	_ = 	snop  }
0x3b: {  	_ = 	snop  }
0x3c: {  	p2 =	seq.s32 s10, $0x1;
	s10 =	sld [smem:$0x3FAF]  }
0x3d: {  	_ =	shalt  }
0x3e: {  	_ =	shalt  }
0x3f: {  	_ =	shalt  }
0x40: {  	_ =	shalt  }
0x41: {  	_ =	shalt  }
0x42: {  	_ =	shalt  }
0x43: {  	_ =	shalt  }
0x44: {  	_ =	shalt  }
0x45: {  	_ =	shalt  }
0x46: {  	_ =	shalt  }
0x47: {  	_ =	shalt  }
0x48: {  	_ =	shalt  }
0x49: {  	_ =	shalt  }
0x4a: {  	_ =	shalt  }
0x4b: {  	_ =	shalt  }
0x4c: {  	_ =	shalt  }
0x4d: {  	_ =	shalt  }
0x4e: {  	_ =	shalt  }
0x4f: {  	_ =	shalt  }
0x50: {  	_ =	shalt  }
0x51: {  	_ =	shalt  }
0x52: {  	_ =	shalt  }
0x53: {  	_ =	shalt  }
0x54: {  	_ =	shalt  }
0x55: {  	_ =	shalt  }
0x56: {  	_ =	shalt  }
0x57: {  	_ =	shalt  }
0x58: {  	_ =	shalt  }
0x59: {  	_ =	shalt  }
0x5a: {  	_ =	shalt  }
0x5b: {  	_ =	shalt  }
0x5c: {  	_ =	shalt  }
0x5d: {  	_ =	shalt  }
0x5e: {  	_ =	shalt  }
0x5f: {  	_ =	shalt  }
0x60: {  	_ =	shalt  }
0x61: {  	_ =	shalt  }
0x62: {  	_ =	shalt  }
0x63: {  	_ =	shalt  }
0x64: {  	_ =	shalt  }
0x65: {  	_ =	shalt  }
0x66: {  	_ =	shalt  }
0x67: {  	_ =	shalt  }
0x68: {  	_ =	shalt  }
0x69: {  	_ =	shalt  }
0x6a: {  	_ =	shalt  }
0x6b: {  	_ =	shalt  }
0x6c: {  	_ =	shalt  }
0x6d: {  	_ =	shalt  }
0x6e: {  	_ =	shalt  }
0x6f: {  	_ =	shalt  }
0x70: {  	_ =	shalt  }
0x71: {  	_ =	shalt  }
0x72: {  	_ =	shalt  }
0x73: {  	_ =	shalt  }
0x74: {  	_ =	shalt  }
0x75: {  	_ =	shalt  }
0x76: {  	_ =	shalt  }
0x77: {  	_ =	shalt  }
0x78: {  	_ =	shalt  }
0x79: {  	_ =	shalt  }
0x7a: {  	_ =	shalt  }
0x7b: {  	_ =	shalt  }
0x7c: {  	_ =	shalt  }
0x7d: {  	_ =	shalt  }
0x7e: {  	_ =	shalt  }
0x7f: {  	_ =	shalt  }
0x80: {  	_ =	shalt  }
0x81: {  	_ =	shalt  }
0x82: {  	_ =	shalt  }
0x83: {  	_ =	shalt  }
0x84: {  	_ =	shalt  }
0x85: {  	_ =	shalt  }
0x86: {  	_ =	shalt  }
0x87: {  	_ =	shalt  }
.Lfunc_end0:
.L_simem_size_0:
called_computation.2_lowered:
.L_overlay_start_0:
0x88: {  	s2 =	sld [smem:$0x3FD9]  }
0x89: {  	s3 =	sld [smem:$0x3FFE];
	_ =	sdelay $0x1  }
0x8a: {  	s1 =	srdreg.scid  }
0x8b: {  	s0 =	sand.u32 $0x1, s1  }
0x8c: {  	s17 =	sshll.u32 s0, $0xA;
	s2 =	sadd.s32 s3, s2  }
0x8d: {  	s2 =	sadd.s32 s2, s17  }
0x8e: {  	[smem:$0x3FBB] =	sst s2  }
0x8f: {  	_ = 	snop  }
0x90: {  	s2 =	sld [smem:$0x3FD0];
	(tm) =	ssettm $0x1  }
0x91: {  	s18 =	sld [smem:$0x3FFB];
	_ =	sdelay $0x3  }
0x92: {  	_ =	strace s18  }
0x93: {  	s3 =	sld [smem:$0x3FFC];
	_ =	sdelay $0x3  }
0x94: {  	_ =	strace s3  }
0x95: {  	s3 =	sld [smem:$0x3FFD];
	_ =	sdelay $0x3  }
0x96: {  	_ =	strace s3  }
0x97: {  	_ =	strace $0x8FFFFFFF  }
0x98: {  	s19 =	sld [smem:$0x3FDB];
	_ =	sdelay $0x1  }
0x99: {  	s4 =	simm.s32 $_scs_section_size  }
0x9a: {  	s5 =	simm.s32 $_size__tile_overlayer_lowered;
	s6 =	simm.s32 $_tile_overlayer_lowered  }
0x9b: {  	s22 =	simm.s32 $0x1BFF;
	s21 =	sshll.u32 s6, $0x1;
	s3 =	sadd.s32 s4, s19  }
0x9c: {  	s7 =	simm.s32 $0x0;
	s20 =	sshll.u32 s5, $0x1;
	s5 =	sadd.s32 s21, s3  }
0x9d: {  	[timem:s7], [sflag:s22] =	dma.local [hbm:s5], s20  }
0x9e: {  	_ =	swait.ge [sflag:s22], s20  }
0x9f: {  	s4 =	ssub.s32 $0x0, s20;
	[sflag:s22] =	ssyncset.done $0x0  }
0xa0: {  	[sflag:s22] =	ssyncadd.s32 s4;
	_ =	sdelay $0x1  }
0xa1: {  	s23 =	simm.s32 $0x1B8B  }
0xa2: {  	_ =	swait.ge [sflag:s23], $0x1  }
0xa3: {  	[sflag:s23] =	ssyncset.done $0x0  }
0xa4: {  	s25 =	simm.s32 $0x1B8E;
	s24 =	sld [smem:$0x3FFE];
	[sflag:s23] =	ssyncadd.s32 $0xFFFFFFFF  }
0xa5: {  	s26 =	simm.s32 $execute0_lowered;
	[smem:$0x3FD2] =	sst s25  }
0xa6: {  	s5 =	sshll.u32 s26, $0x1;
	_ =	strace $0x8000004C;
	[dreg:$0x1] =	wrdreg $0xFFFFFFFF  }
0xa7: {  	s28 =	simm.s32 $_size_execute0_lowered;
	s3 =	sadd.s32 s3, s5;
	[dreg:$0x0] =	wrdreg $0x0  }
0xa8: {  	s5 =	sshll.u32 s28, $0x1;
	[dreg:$0x2] =	wrdreg s3  }
0xa9: {  	[dreg:$0x3] =	wrdreg s5  }
0xaa: {  	[dreg:$0x4] =	wrdreg $0xC0  }
0xab: {  	_ =	task [dreg:s7], $0x5FFFF  }
0xac: {  	[dreg:$0x1] =	wrdreg $0xFFFFFFFF  }
0xad: {  	[dreg:$0x0] =	wrdreg $0x60  }
0xae: {  	[dreg:$0x2] =	wrdreg s24  }
0xaf: {  	[dreg:$0x3] =	wrdreg s2  }
0xb0: {  	[dreg:$0x4] =	wrdreg $0x0  }
0xb1: {  	[dreg:$0x5] =	wrdreg $0x4F000  }
0xb2: {  	[dreg:$0x6] =	wrdreg $0x9  }
0xb3: {  	_ =	task.clear_ibuf [dreg:s7], $0x7FFFF;
	_ =	strace $0x9000004C  }
0xb4: {  	s29 =	simm.s32 $0x9;
	_ =	strace $0x8000004E  }
0xb5: {  	_ =	swait.ge [sflag:s29], $0x1  }
0xb6: {  	[sflag:s29] =	ssyncadd.s32 $0xFFFFFFFF  }
0xb7: {  	_ =	strace $0x9000004E  }
0xb8: {  	_ =	sfence  }
0xb9: {  	s30 =	sld [smem:$0x0];
	_ =	sdelay $0x2  }
0xba: {  	s31 =	sshll.u32 s1, $0xD;
	s1 =	sshrl.u32 s1, $0x2  }
0xbb: {  	s3 =	sand.u32 $0x4000, s31;
	s1 =	sadd.s32 s1, s30  }
0xbc: {  	s0 =	sor.u32 s3, s0;
	s1 =	sshll.u32 s1, $0x11  }
0xbd: {  	s0 =	sor.u32 s1, s0  }
0xbe: {  	s0 =	sadd.s32 $0x8F2B, s0  }
0xbf: {  	[sflag:s0] =	ssyncadd.remote.s32 $0x1  }
0xc0: {  	_ =	sfence.sel $0xFFFF  }
0xc1: {  	[dreg:$0x0] =	wrdreg $0xFFFFFFFF;
	(pc) =	sbr.abs _section_cstart, $3  }
0xc2: {  	[dreg:$0x1] =	wrdreg $0xFFFFFFFF  }
0xc3: {  	_ =	task.clear_ibuf [dreg:s7], $0x2FFFF;
	_ =	strace $0x9FFFFFFF  }
0xc4: {  	(tm) =	ssettm $0x7FFFFFFF  }
0xc5: {  	_ =	shalt  }
tec
execute0_lowered:
.L_overlay_start_1:
0x0: {  	(tag) =	ssettag $0x1  }
0x1: {  	s0 =	rddreg [dreg:$0x0]  }
0x2: {  	s1 =	rddreg [dreg:$0x1]  }
0x3: {  	s2 =	rddreg [dreg:$0x2]  }
0x4: {  	s3 =	rddreg [dreg:$0x3]  }
0x5: {  	s4 =	simm.s32 $0x0;
	s7 =	srdreg.scid;
	s5 =	stileid.u32  }
0x6: {  	s17 =	simm.s32 $0x40;
	s18 =	simm.s32 $0xBE00;
	s19 =	simm.s32 $0x9E40  }
0x7: {  	s20 =	simm.s32 $0xC600;
	s21 =	simm.s32 $0x9E80;
	s22 =	simm.s32 $0xCE00  }
0x8: {  	s23 =	simm.s32 $0x9EC0;
	s24 =	simm.s32 $0xD600;
	s25 =	simm.s32 $0x1  }
0x9: {  	s26 =	simm.s32 $0x2;
	[smem:$0x7FF] =	sst s4;
	s10 =	sadd.s32 $0x48800, s0  }
0xa: {  	s11 =	sadd.s32 $0x3EA00, s0;
	s6 =	sadd.s32 $0x34A00, s0;
	s8 =	sand.u32 $0x1, s7  }
0xb: {  	s7 =	sadd.s32 $0x2AA00, s0;
	s12 =	smul.u32 $0x4F00, s5;
	s13 =	sadd.s32 $0x5C400, s0  }
0xc: {  	s0 =	sadd.s32 $0x52600, s0;
	s31 =	sshll.u32 s5, $0x6;
	_ =	strace $0x8000004D  }
0xd: {  	s9 =	ssub.s32 $0x2, s8;
	p0 =	seq.s32 s8, $0x0;
	s8 =	smul.u32 $0x5000, s5  }
0xe: {  	s14 =	sshrl.u32 s9, $0x1;
	s30 =	sadd.s32 s12, s2;
	s15 =	sshrl.u32 s12, $0x3  }
0xf: {  	s16 =	sadd.s32 s12, s3;
	s11 =	smov.u32 @p0 s10;
	s0 =	smov.u32 @p0 s13  }
0x10: {  	s9 =	ssub.s32 s9, s14;
	s10 =	sadd.s32 s11, s15;
	s11 =	sor.u32 $0x1C03, s31  }
0x11: {  	s12 =	sadd.s32 s0, s15;
	s13 =	sshrl.u32 s30, $0x3;
	s14 =	simm.s32 $0x3  }
0x12: {  	s15 =	sshrl.u32 s16, $0x3;
	s16 =	simm.s32 $0x9E00;
	s9 =	smax.u32 s9, $0x1  }
.LBB2_1:
0x13: {  	[spmem:s13], [sflag:s11] =	dma.local [hbm:s10], $0x9E0  }
0x14: {  	_ =	swait.ge [sflag:s14], $0x9E0  }
0x15: {  	[sflag:s14] =	ssyncset.done $0x0  }
0x16: {  	[sflag:s14] =	ssyncadd.s32 $0xFFFFF620  }
0x17: {  	[spmem:s15], [sflag:s11] =	dma.local [hbm:s1], $0x9E0  }
0x18: {  	_ =	swait.ge [sflag:s14], $0x9E0  }
0x19: {  	[sflag:s14] =	ssyncset.done $0x0  }
0x1a: {  	[sflag:s14] =	ssyncadd.s32 $0xFFFFF620  }
0x1b: {  	s28 =	simm.s32 $0x0;
	[bflag:$0x0] =	sbarrier.arrive $0xFFFF  }
.LBB2_2:
0x1c: {  	s0 =	sshll.u32 s28, $0xC  }
0x1d: {  	s0 =	sadd.s32 s8, s0  }
0x1e: {  	s0 =	sshrl.u32 s0, $0x3  }
0x1f: {  	s29 =	simm.s32 $0x0;
	s30 =	sadd.s32 s6, s0  }
0x20: {  	[tilespmem:s16], [sflag:$0x3] =	stream.linear.gather [hbm4b:s30+s29], $0x1000, $0x38;
	[tilespmem:$0xE600] =	vst v63  }
0x21: {  	_ =	swait.ge [sflag:s14], $0x1000  }
0x22: {  	[sflag:s14] =	ssyncset.done $0x0  }
0x23: {  	s0 =	sadd.s32 s7, s0;
	s30 =	simm.s32 $0xAE00;
	[sflag:s14] =	ssyncadd.s32 $0xFFFFF000  }
0x24: {  	[tilespmem:s30], [sflag:$0x3] =	stream.linear.gather [hbm4b:s0+s29], $0x1000, $0x38;
	[tilespmem:$0xE600] =	vst v63  }
0x25: {  	_ =	swait.ge [sflag:s14], $0x1000  }
0x26: {  	[sflag:s14] =	ssyncset.done $0x0  }
0x27: {  	[sflag:s14] =	ssyncadd.s32 $0xFFFFF000  }
0x28: {  	[tilespmem:s18], [sflag:$0x1] =	stream.indirect.gather [spmem:s2], $0x20, s16, s17, $0xb8;
	[tilespmem:$0xE600] =	vst v63  }
0x29: {  	_ = 	snop  }
0x2a: {  	[tilespmem:s20], [sflag:$0x1] =	stream.indirect.gather [spmem:s2], $0x20, s19, s17, $0xb8;
	[tilespmem:$0xE600] =	vst v63  }
0x2b: {  	_ = 	snop  }
0x2c: {  	[tilespmem:s22], [sflag:$0x1] =	stream.indirect.gather [spmem:s2], $0x20, s21, s17, $0xb8;
	[tilespmem:$0xE600] =	vst v63  }
0x2d: {  	s31 =	simm.s32 $0x9F00  }
0x2e: {  	[tilespmem:s24], [sflag:$0x1] =	stream.indirect.gather [spmem:s2], $0x20, s23, s17, $0xb8;
	[tilespmem:$0xE600] =	vst v63  }
.LBB2_3:
0x2f: {  	_ =	swait.ge [sflag:s25], $0x800  }
0x30: {  	p0 =	seq.s32 s29, $0x0;
	[sflag:s25] =	ssyncset.done $0x0  }
0x31: {  	s5 =	simm.s32 @!p0 $0x2;
	[sflag:s25] =	ssyncadd.s32 $0xFFFFF800  }
0x32: {  	s0 =	smul.u32 $0xCD, s29;
	p1 =	sgt.u32 @!p0 s29, $0x3B;
	_ =	swait.ge @!p0 [sflag:s5], $0x800  }
0x33: {  	p1 =	por p0, !p1;
	[sflag:s5] =	ssyncset.done @!p0 $0x0  }
0x34: {  	[sflag:s5] =	ssyncadd.s32 @!p0 $0xFFFFF800;
	s5 =	sadd.s32 @p1 $0x334, s0  }
0x35: {  	s5 =	sshrl.u32 @p1 s5, $0xA  }
0x36: {  	s5 =	sand.u32 @p1 $0x3F, s5  }
0x37: {  	s0 =	sshrl.u32 s0, $0xA;
	s5 =	smul.u32 @p1 $0x5, s5  }
0x38: {  	s0 =	sand.u32 $0x3F, s0  }
0x39: {  	s0 =	smul.u32 $0x5, s0;
	s5 =	ssub.s32 @p1 s29, s5  }
0x3a: {  	s5 =	sadd.s32 @p1 $0x4, s5  }
0x3b: {  	s0 =	ssub.s32 s29, s0;
	s29 =	sadd.s32 $0x1, s29;
	s5 =	sand.u32 @p1 $0xFF, s5  }
0x3c: {  	s0 =	sand.u32 $0xFF, s0;
	p0 =	sne.s32 s29, $0x40;
	s5 =	sshll.u32 @p1 s5, $0xB  }
.Ltmp0:
0x3d: {  	s0 =	sshll.u32 s0, $0xB;
	s5 =	sadd.s32 @p1 $0xBE00, s5;
	(pc) =	sbr.rel @p0 .LBB2_3-.Ltmp0, $4  }
0x3e: {  	[tilespmem:s5], [sflag:$0x1] =	stream.indirect.gather @p1 [spmem:s2], $0x20, s31, s17, $0xb8;
	[tilespmem:$0xE600] =	vst v63  }
0x3f: {  	s0 =	sadd.s32 $0xBE00, s0  }
0x40: {  	[spmem:s3] =	stream.indirect.scatter.add.f32 [tilespmem:s0], [sflag:$0x2], $0x20, s30, s17, $0xb8;
	[tilespmem:$0xE600] =	vst v63  }
0x41: {  	s31 =	sadd.s32 $0x40, s31;
	s30 =	sadd.s32 $0x40, s30  }
0x42: {  	s28 =	sadd.s32 $0x1, s28  }
0x43: {  	p0 =	sne.s32 s28, $0x5  }
.Ltmp1:
0x44: {  	_ = 	snop;
	(pc) =	sbr.rel @p0 .LBB2_2-.Ltmp1, $4  }
0x45: {  	_ = 	snop  }
0x46: {  	_ =	swait.ge [sflag:s26], $0x800  }
0x47: {  	[sflag:s26] =	ssyncset.done $0x0  }
0x48: {  	[sflag:s26] =	ssyncadd.s32 $0xFFFFF800  }
0x49: {  	s4 =	sadd.s32 $0x1, s4  }
0x4a: {  	p0 =	sne.s32 s4, s9  }
.Ltmp2:
0x4b: {  	[bflag:$0x0] =	sbarrier.arrive $0xFFFF;
	(pc) =	sbr.rel @p0 .LBB2_1-.Ltmp2, $4  }
0x4c: {  	[hbm:s12], [sflag:s11] =	dma.local [spmem:s15], $0x9E0  }
0x4d: {  	_ =	swait.ge [sflag:s14], $0x9E0  }
0x4e: {  	[sflag:s14] =	ssyncset.done $0x0  }
0x4f: {  	[sflag:s14] =	ssyncadd.s32 $0xFFFFF620  }
0x50: {  	_ =	sfence.sel $0x180000  }
0x51: {  	[bflag:$0x0] =	sbarrier.arrive $0xFFFF  }
0x52: {  	_ =	strace $0x9000004D  }
0x53: {  	s0 =	stileid.u32;
	[bflag:$0x2] =	sbarrier.arrive $0xFFFF  }
0x54: {  	p0 =	sne.s32 s0, $0x0;
	s0 =	rddreg [dreg:$0x4]  }
0x55: {  	s0 =	sadd.s32 @!p0 $0x100000, s0  }
0x56: {  	[sflag:s0] =	ssyncadd.tile.s32 @!p0 $0x1;
	_ =	shalt  }
.Lfunc_end2:
_tile_overlayer_lowered:
.L_overlay_start_2:
0x57: {  	(tag) =	ssettag $0x2  }
0x58: {  	s0 =	rddreg [dreg:$0x0];
	s2 =	stileid.u32  }
0x59: {  	s1 =	rddreg [dreg:$0x1];
	p0 =	sne.s32 s2, $0x0  }
0x5a: {  	s3 =	rddreg [dreg:$0x2];
	[bflag:$0x3] =	sbarrier.arrive $0xFFFF;
	s2 =	simm.s32 @!p0 $0x1C03  }
0x5b: {  	[timem:s3], [sflag:s2] =	dma.local @!p0 [hbm:s0], s1  }
0x5c: {  	s0 =	simm.s32 @!p0 $0x3  }
0x5d: {  	_ =	swait.ge @!p0 [sflag:s0], s1  }
0x5e: {  	s1 =	ssub.s32 @!p0 $0x0, s1;
	[sflag:s0] =	ssyncset.done @!p0 $0x0  }
0x5f: {  	[sflag:s0] =	ssyncadd.s32 @!p0 s1  }
0x60: {  	[bflag:$0x3] =	sbarrier.arrive $0xFFFF  }
0x61: {  	_ =	shalt  }

// kernel: kernel.9.cloned.1.call-start
scs
__scs_entry_jumppad:
0x0: {  	(pc) =	sbr.rel $0x88, $3  }
0x1: {  	(tag) =	ssettag $0x0;
	lr =	simm.s32 $0x1  }
0x2: {  	[smem:$0x3F94] =	sst lr;
	_ =	strace $0xD0000000  }
0x3: {  	_ = 	snop  }
0x4: {  	_ = 	snop  }
0x5: {  	_ = 	snop  }
0x6: {  	_ = 	snop  }
0x7: {  	_ = 	snop  }
__scs_overlays_trampoline_lowered:
0x8: {  	[smem:$0x3FA3] =	sst s0  }
0x9: {  	[smem:$0x3FA4] =	sst s1  }
0xa: {  	[smem:$0x3FA5] =	sst s2  }
0xb: {  	[smem:$0x3FA6] =	sst s3  }
0xc: {  	[smem:$0x3FA7] =	sst s4  }
0xd: {  	[smem:$0x3FA8] =	sst s5  }
0xe: {  	[smem:$0x3FA9] =	sst s6  }
0xf: {  	[smem:$0x3FAA] =	sst s7  }
0x10: {  	[smem:$0x3FAB] =	sst s8  }
0x11: {  	[smem:$0x3FAC] =	sst s9;
	s0 =	simm.s32 @!p0 $0x0  }
0x12: {  	s1 =	sld [smem:$0x3F92];
	s0 =	simm.s32 @p0 $0x1  }
0x13: {  	[smem:$0x3FAD] =	sst s0;
	s0 =	simm.s32 @!p1 $0x0  }
0x14: {  	s2 =	sld [smem:$0x3F91];
	s0 =	simm.s32 @p1 $0x1  }
0x15: {  	[smem:$0x3FAE] =	sst s0;
	s0 =	simm.s32 @!p2 $0x0  }
0x16: {  	s3 =	sld [smem:$0x3FDB];
	s0 =	simm.s32 @p2 $0x1  }
0x17: {  	s4 =	simm.s32 $0x1BF5;
	[smem:$0x3FB0] =	sst s0  }
0x18: {  	s0 =	sld [smem:$0x3F93];
	_ =	swait.ge [sflag:s4], $0x0  }
0x19: {  	s7 =	sld [smem:$0x3F94]  }
0x1a: {  	s8 =	sadd.s32 $0xFFFFE003, lr  }
0x1b: {  	s9 =	sadd.s32 $0xFFFFFEF7, lr;
	s5 =	simm.s32 $0xFFFFFFFF;
	p2 =	slt.u32 s8, $0xFFFFF086  }
0x1c: {  	p1 =	slt.u32 s9, $0xF7A;
	s5 =	simm.s32 @!p2 $0x0  }
0x1d: {  	s5 =	simm.s32 @p1 $0x1;
	p0 =	seq.s32 s7, s2  }
0x1e: {  	s7 =	smul.u32 @!p0 $0xF7A, s2;
	p2 =	seq.s32 @!p0 s5, $0x0  }
0x1f: {  	s9 =	smul.u32 $0xF7A, s1;
	s8 =	simm.s32 @!p0 $0x1BF5;
	p2 =	por !p2, p0  }
0x20: {  	[sflag:s8] =	ssyncset.s32 @!p0 $0xFFFFF086;
	s6 =	sadd.s32 @!p0 s3, s7;
	s7 =	simm.s32 @!p0 $0x108  }
0x21: {  	s3 =	sadd.s32 s3, s9;
	s6 =	sadd.s32 @!p0 $0x88, s6;
	s7 =	simm.s32 @p2 $0x1082  }
0x22: {  	[simem:s7], [sflag:s8] =	dma.local @!p0 [hbm:s6], $0xF7A  }
0x23: {  	s9 =	sor.u32 $0xD0000000, s2;
	s6 =	simm.s32 $0x108;
	_ =	swait.ge @!p0 [sflag:s8], $0x0  }
0x24: {  	s3 =	sadd.s32 $0x88, s3;
	s6 =	simm.s32 @!p1 $0x1082;
	[sflag:s4] =	ssyncset.s32 $0xFFFFF086  }
0x25: {  	[simem:s6], [sflag:s4] =	dma.local [hbm:s3], $0xF7A  }
0x26: {  	[smem:$0x3F94] =	sst s1;
	(tag) =	ssettag s2;
	_ =	strace s9  }
0x27: {  	s1 =	sld [smem:$0x3FA4]  }
0x28: {  	s2 =	sld [smem:$0x3FA5]  }
0x29: {  	s4 =	sld [smem:$0x3FA7]  }
0x2a: {  	p0 =	seq.s32 s5, $0x0;
	s5 =	sld [smem:$0x3FA8]  }
0x2b: {  	s6 =	sld [smem:$0x3FA9]  }
0x2c: {  	s7 =	sld [smem:$0x3FAA]  }
0x2d: {  	s3 =	simm.s32 $0x108;
	s8 =	sld [smem:$0x3FAB]  }
0x2e: {  	s3 =	simm.s32 @!p0 $0x1082;
	s9 =	sld [smem:$0x3FAC]  }
0x2f: {  	lr =	sadd.s32 s0, s3;
	s0 =	sld [smem:$0x3FA3]  }
0x30: {  	s3 =	sld [smem:$0x3FA6]  }
0x31: {  	[smem:$0x3FAF] =	sst s10  }
0x32: {  	s10 =	sld [smem:$0x3FAD];
	_ =	sdelay $0x3  }
0x33: {  	p0 =	seq.s32 s10, $0x1;
	s10 =	sld [smem:$0x3FAF];
	_ =	sdelay $0x3  }
0x34: {  	[smem:$0x3FAF] =	sst s10  }
0x35: {  	s10 =	sld [smem:$0x3FAE];
	_ =	sdelay $0x3  }
0x36: {  	p1 =	seq.s32 s10, $0x1;
	s10 =	sld [smem:$0x3FAF];
	_ =	sdelay $0x3  }
0x37: {  	[smem:$0x3FAF] =	sst s10  }
0x38: {  	s10 =	sld [smem:$0x3FB0]  }
0x39: {  	_ = 	snop;
	(pc) =	sbr.ind lr, $3  }
0x3a: {  	_ = 	snop  }
0x3b: {  	_ = 	snop  }
0x3c: {  	p2 =	seq.s32 s10, $0x1;
	s10 =	sld [smem:$0x3FAF]  }
0x3d: {  	_ =	shalt  }
0x3e: {  	_ =	shalt  }
0x3f: {  	_ =	shalt  }
0x40: {  	_ =	shalt  }
0x41: {  	_ =	shalt  }
0x42: {  	_ =	shalt  }
0x43: {  	_ =	shalt  }
0x44: {  	_ =	shalt  }
0x45: {  	_ =	shalt  }
0x46: {  	_ =	shalt  }
0x47: {  	_ =	shalt  }
0x48: {  	_ =	shalt  }
0x49: {  	_ =	shalt  }
0x4a: {  	_ =	shalt  }
0x4b: {  	_ =	shalt  }
0x4c: {  	_ =	shalt  }
0x4d: {  	_ =	shalt  }
0x4e: {  	_ =	shalt  }
0x4f: {  	_ =	shalt  }
0x50: {  	_ =	shalt  }
0x51: {  	_ =	shalt  }
0x52: {  	_ =	shalt  }
0x53: {  	_ =	shalt  }
0x54: {  	_ =	shalt  }
0x55: {  	_ =	shalt  }
0x56: {  	_ =	shalt  }
0x57: {  	_ =	shalt  }
0x58: {  	_ =	shalt  }
0x59: {  	_ =	shalt  }
0x5a: {  	_ =	shalt  }
0x5b: {  	_ =	shalt  }
0x5c: {  	_ =	shalt  }
0x5d: {  	_ =	shalt  }
0x5e: {  	_ =	shalt  }
0x5f: {  	_ =	shalt  }
0x60: {  	_ =	shalt  }
0x61: {  	_ =	shalt  }
0x62: {  	_ =	shalt  }
0x63: {  	_ =	shalt  }
0x64: {  	_ =	shalt  }
0x65: {  	_ =	shalt  }
0x66: {  	_ =	shalt  }
0x67: {  	_ =	shalt  }
0x68: {  	_ =	shalt  }
0x69: {  	_ =	shalt  }
0x6a: {  	_ =	shalt  }
0x6b: {  	_ =	shalt  }
0x6c: {  	_ =	shalt  }
0x6d: {  	_ =	shalt  }
0x6e: {  	_ =	shalt  }
0x6f: {  	_ =	shalt  }
0x70: {  	_ =	shalt  }
0x71: {  	_ =	shalt  }
0x72: {  	_ =	shalt  }
0x73: {  	_ =	shalt  }
0x74: {  	_ =	shalt  }
0x75: {  	_ =	shalt  }
0x76: {  	_ =	shalt  }
0x77: {  	_ =	shalt  }
0x78: {  	_ =	shalt  }
0x79: {  	_ =	shalt  }
0x7a: {  	_ =	shalt  }
0x7b: {  	_ =	shalt  }
0x7c: {  	_ =	shalt  }
0x7d: {  	_ =	shalt  }
0x7e: {  	_ =	shalt  }
0x7f: {  	_ =	shalt  }
0x80: {  	_ =	shalt  }
0x81: {  	_ =	shalt  }
0x82: {  	_ =	shalt  }
0x83: {  	_ =	shalt  }
0x84: {  	_ =	shalt  }
0x85: {  	_ =	shalt  }
0x86: {  	_ =	shalt  }
0x87: {  	_ =	shalt  }
.Lfunc_end0:
.L_simem_size_0:
called_computation_lowered:
.L_overlay_start_0:
0x88: {  	s2 =	sld [smem:$0x3FD9]  }
0x89: {  	s3 =	sld [smem:$0x3FFE];
	_ =	sdelay $0x1  }
0x8a: {  	s1 =	srdreg.scid  }
0x8b: {  	s0 =	sand.u32 $0x1, s1  }
0x8c: {  	s17 =	sshll.u32 s0, $0xA;
	s2 =	sadd.s32 s3, s2  }
0x8d: {  	s2 =	sadd.s32 s2, s17  }
0x8e: {  	[smem:$0x3FBB] =	sst s2  }
0x8f: {  	_ = 	snop  }
0x90: {  	s2 =	sld [smem:$0x3FD0];
	(tm) =	ssettm $0x1  }
0x91: {  	s18 =	sld [smem:$0x3FFB];
	_ =	sdelay $0x3  }
0x92: {  	_ =	strace s18  }
0x93: {  	s3 =	sld [smem:$0x3FFC];
	_ =	sdelay $0x3  }
0x94: {  	_ =	strace s3  }
0x95: {  	s3 =	sld [smem:$0x3FFD];
	_ =	sdelay $0x3  }
0x96: {  	_ =	strace s3  }
0x97: {  	_ =	strace $0x8FFFFFFF  }
0x98: {  	s19 =	sld [smem:$0x3FDB];
	_ =	sdelay $0x1  }
0x99: {  	s4 =	simm.s32 $_scs_section_size  }
0x9a: {  	s5 =	simm.s32 $_size__tile_overlayer_lowered;
	s6 =	simm.s32 $_tile_overlayer_lowered  }
0x9b: {  	s22 =	simm.s32 $0x1BFF;
	s21 =	sshll.u32 s6, $0x1;
	s3 =	sadd.s32 s4, s19  }
0x9c: {  	s7 =	simm.s32 $0x0;
	s20 =	sshll.u32 s5, $0x1;
	s5 =	sadd.s32 s21, s3  }
0x9d: {  	[timem:s7], [sflag:s22] =	dma.local [hbm:s5], s20  }
0x9e: {  	_ =	swait.ge [sflag:s22], s20  }
0x9f: {  	s4 =	ssub.s32 $0x0, s20;
	[sflag:s22] =	ssyncset.done $0x0  }
0xa0: {  	[sflag:s22] =	ssyncadd.s32 s4;
	_ =	sdelay $0x1  }
0xa1: {  	s23 =	simm.s32 $0x1B8B  }
0xa2: {  	_ =	swait.ge [sflag:s23], $0x1  }
0xa3: {  	[sflag:s23] =	ssyncset.done $0x0  }
0xa4: {  	s25 =	simm.s32 $0x1B8E;
	s24 =	sld [smem:$0x3FFE];
	[sflag:s23] =	ssyncadd.s32 $0xFFFFFFFF  }
0xa5: {  	s26 =	simm.s32 $execute0_lowered;
	[smem:$0x3FD2] =	sst s25  }
0xa6: {  	s5 =	sshll.u32 s26, $0x1;
	_ =	strace $0x80000046;
	[dreg:$0x1] =	wrdreg $0xFFFFFFFF  }
0xa7: {  	s28 =	simm.s32 $_size_execute0_lowered;
	s3 =	sadd.s32 s3, s5;
	[dreg:$0x0] =	wrdreg $0x0  }
0xa8: {  	s5 =	sshll.u32 s28, $0x1;
	[dreg:$0x2] =	wrdreg s3  }
0xa9: {  	[dreg:$0x3] =	wrdreg s5  }
0xaa: {  	[dreg:$0x4] =	wrdreg $0xC0  }
0xab: {  	_ =	task [dreg:s7], $0x5FFFF  }
0xac: {  	[dreg:$0x1] =	wrdreg $0xFFFFFFFF  }
0xad: {  	[dreg:$0x0] =	wrdreg $0x60  }
0xae: {  	[dreg:$0x2] =	wrdreg s24  }
0xaf: {  	[dreg:$0x3] =	wrdreg s2  }
0xb0: {  	[dreg:$0x4] =	wrdreg $0x0  }
0xb1: {  	[dreg:$0x5] =	wrdreg $0x9E000  }
0xb2: {  	[dreg:$0x6] =	wrdreg $0x1AC000  }
0xb3: {  	[dreg:$0x7] =	wrdreg $0x9  }
0xb4: {  	_ =	task.clear_ibuf [dreg:s7], $0x8FFFF;
	_ =	strace $0x90000046  }
0xb5: {  	s29 =	simm.s32 $0x9;
	_ =	strace $0x80000048  }
0xb6: {  	_ =	swait.ge [sflag:s29], $0x1  }
0xb7: {  	[sflag:s29] =	ssyncadd.s32 $0xFFFFFFFF  }
0xb8: {  	_ =	strace $0x90000048  }
0xb9: {  	_ =	sfence  }
0xba: {  	s30 =	sld [smem:$0x0];
	_ =	sdelay $0x2  }
0xbb: {  	s31 =	sshll.u32 s1, $0xD;
	s1 =	sshrl.u32 s1, $0x2  }
0xbc: {  	s3 =	sand.u32 $0x4000, s31;
	s1 =	sadd.s32 s1, s30  }
0xbd: {  	s0 =	sor.u32 s3, s0;
	s1 =	sshll.u32 s1, $0x11  }
0xbe: {  	s0 =	sor.u32 s1, s0  }
0xbf: {  	s0 =	sadd.s32 $0x8F2B, s0  }
0xc0: {  	[sflag:s0] =	ssyncadd.remote.s32 $0x1  }
0xc1: {  	_ =	sfence.sel $0xFFFF  }
0xc2: {  	[dreg:$0x0] =	wrdreg $0xFFFFFFFF;
	(pc) =	sbr.abs _section_cstart, $3  }
0xc3: {  	[dreg:$0x1] =	wrdreg $0xFFFFFFFF  }
0xc4: {  	_ =	task.clear_ibuf [dreg:s7], $0x2FFFF;
	_ =	strace $0x9FFFFFFF  }
0xc5: {  	(tm) =	ssettm $0x7FFFFFFF  }
tec
execute0_lowered:
.L_overlay_start_1:
0x0: {  	(tag) =	ssettag $0x1  }
0x1: {  	s0 =	rddreg [dreg:$0x0]  }
0x2: {  	s2 =	rddreg [dreg:$0x2]  }
0x3: {  	s3 =	rddreg [dreg:$0x3]  }
0x4: {  	s4 =	rddreg [dreg:$0x4]  }
0x5: {  	s1 =	simm.s32 $0x0;
	s20 =	srdreg.scid;
	s17 =	stileid.u32  }
0x6: {  	s18 =	simm.s32 $0x4;
	s28 =	simm.s32 $0x13C80;
	s29 =	simm.s32 $0x17C00  }
0x7: {  	s30 =	simm.s32 $0x13CC0;
	s31 =	simm.s32 $0x18C00;
	[smem:$0x7FF] =	sst s1  }
0x8: {  	s1 =	sadd.s32 $0x16E00, s0;
	s5 =	sadd.s32 $0x3200, s0;
	s6 =	sadd.s32 $0x34A00, s0  }
0x9: {  	s7 =	sadd.s32 $0x2AA00, s0;
	s8 =	sadd.s32 $0x3EA00, s0;
	s19 =	sadd.s32 $0x3F000, s0  }
0xa: {  	s9 =	sadd.s32 $0x5CE00, s0;
	s10 =	sadd.s32 $0x49200, s0;
	s14 =	smul.u32 $0x9E00, s17  }
0xb: {  	s12 =	sadd.s32 $0x44200, s0;
	s0 =	sadd.s32 $0x3F200, s0;
	s21 =	smul.u32 $0x2780, s17  }
0xc: {  	_ =	strace $0x80000047;
	[dreg:$0x6] =	wrdreg s8;
	s8 =	sand.u32 $0x1, s20  }
0xd: {  	s24 =	sshll.u32 s17, $0x6;
	[dreg:$0x7] =	wrdreg s19;
	s11 =	ssub.s32 $0x2, s8  }
0xe: {  	p0 =	seq.s32 s8, $0x0;
	s15 =	sadd.s32 s14, s2;
	s16 =	sshrl.u32 s14, $0x3  }
0xf: {  	s19 =	sadd.s32 s14, s3;
	s20 =	sadd.s32 s21, s4;
	s22 =	sshrl.u32 s21, $0x3  }
0x10: {  	s14 =	sor.u32 $0x1C04, s24;
	s21 =	simm.s32 $0x1D380;
	s24 =	simm.s32 $0x15C00  }
0x11: {  	s13 =	sshrl.u32 s11, $0x1;
	s5 =	smov.u32 @p0 s1;
	s10 =	smov.u32 @p0 s9  }
0x12: {  	s0 =	smov.u32 @p0 s12;
	s26 =	sshrl.u32 s15, $0x3;
	s19 =	sshrl.u32 s19, $0x3  }
0x13: {  	s20 =	sshrl.u32 s20, $0x3;
	s1 =	simm.s32 $0x3;
	s13 =	ssub.s32 s11, s13  }
0x14: {  	s11 =	smul.u32 $0x5000, s17;
	s5 =	sadd.s32 s5, s16;
	s25 =	sadd.s32 s10, s16  }
.Ltmp0:
0x15: {  	s0 =	sadd.s32 s0, s22;
	[dreg:$0xc] =	wrdreg s26;
	(pc) =	sbr.rel .LBB2_1-.Ltmp0, $4  }
0x16: {  	s22 =	simm.s32 $0x13C00;
	s26 =	simm.s32 $0x16C00;
	[dreg:$0x9] =	wrdreg s5  }
0x17: {  	s10 =	simm.s32 $0x2;
	s23 =	smax.u32 s13, $0x1;
	[dreg:$0xa] =	wrdreg s25  }
0x18: {  	[dreg:$0xb] =	wrdreg s0;
	s25 =	simm.s32 $0x13C40;
	s0 =	simm.s32 $0x1  }
0x19: {  	s5 =	simm.s32 $0x0;
	[dreg:$0x8] =	wrdreg s23;
	s23 =	simm.s32 $0x40  }
.LBB2_10:
0x1a: {  	[bflag:$0x0] =	sbarrier.arrive $0xFFFF  }
0x1b: {  	s8 =	rddreg [dreg:$0xa]  }
0x1c: {  	[hbm:s8], [sflag:s14] =	dma.local [spmem:s19], $0x13C0  }
0x1d: {  	_ =	swait.ge [sflag:s18], $0x13C0  }
0x1e: {  	[sflag:s18] =	ssyncset.done $0x0  }
0x1f: {  	s16 =	rddreg [dreg:$0xb];
	[sflag:s18] =	ssyncadd.s32 $0xFFFFEC40  }
0x20: {  	[hbm:s16], [sflag:s14] =	dma.local [spmem:s20], $0x4F0  }
0x21: {  	_ =	swait.ge [sflag:s18], $0x4F0  }
0x22: {  	s5 =	sadd.s32 $0x1, s5;
	s17 =	rddreg [dreg:$0x8]  }
0x23: {  	p1 =	sne.s32 s5, s17  }
.Ltmp1:
0x24: {  	_ = 	snop;
	(pc) =	sbr.rel @!p1 .LBB2_11-.Ltmp1, $3  }
0x25: {  	_ =	sdelay $0x1  }
0x26: {  	[sflag:s18] =	ssyncset.done $0x0  }
0x27: {  	[sflag:s18] =	ssyncadd.s32 $0xFFFFFB10  }
.LBB2_1:
0x28: {  	s8 =	rddreg [dreg:$0x9]  }
0x29: {  	s9 =	rddreg [dreg:$0xc]  }
0x2a: {  	[spmem:s9], [sflag:s14] =	dma.local [hbm:s8], $0x13C0  }
0x2b: {  	_ =	swait.ge [sflag:s18], $0x13C0  }
0x2c: {  	[sflag:s18] =	ssyncset.done $0x0  }
0x2d: {  	[sflag:s18] =	ssyncadd.s32 $0xFFFFEC40  }
0x2e: {  	s13 =	rddreg [dreg:$0x1]  }
0x2f: {  	[spmem:s19], [sflag:s14] =	dma.local [hbm:s13], $0x13C0  }
0x30: {  	_ =	swait.ge [sflag:s18], $0x13C0  }
0x31: {  	[sflag:s18] =	ssyncset.done $0x0  }
0x32: {  	s15 =	rddreg [dreg:$0x6];
	[sflag:s18] =	ssyncadd.s32 $0xFFFFEC40  }
0x33: {  	[spmem:s20], [sflag:s14] =	dma.local [hbm:s15], $0x4F0  }
0x34: {  	_ =	swait.ge [sflag:s18], $0x4F0  }
0x35: {  	[sflag:s18] =	ssyncset.done $0x0  }
0x36: {  	s16 =	simm.s32 $0x0;
	s17 =	rddreg [dreg:$0x7];
	[sflag:s18] =	ssyncadd.s32 $0xFFFFFB10  }
0x37: {  	[tilespmem:s21], [sflag:$0x4] =	stream.linear.gather [hbm4b:s17+s16], $0x400, $0x38;
	[tilespmem:$0x1D780] =	vst v63  }
.Ltmp2:
0x38: {  	_ =	swait.ge [sflag:s18], $0x400;
	(pc) =	sbr.rel .LBB2_2-.Ltmp2, $4  }
0x39: {  	[sflag:s18] =	ssyncset.done $0x0  }
0x3a: {  	[sflag:s18] =	ssyncadd.s32 $0xFFFFFC00  }
0x3b: {  	[bflag:$0x0] =	sbarrier.arrive $0xFFFF  }
0x3c: {  	s8 =	simm.s32 $0x0  }
.LBB2_9:
0x3d: {  	s8 =	sadd.s32 $0x1, s8  }
0x3e: {  	_ =	swait.ge [sflag:s10], $0x1000;
	p2 =	sne.s32 s8, $0x5  }
.Ltmp3:
0x3f: {  	[sflag:s10] =	ssyncset.done $0x0;
	(pc) =	sbr.rel @!p2 .LBB2_10-.Ltmp3, $4  }
0x40: {  	s9 =	simm.s32 @p1 $0x3;
	[sflag:s10] =	ssyncadd.s32 $0xFFFFF000  }
0x41: {  	_ =	swait.ge @p1 [sflag:s9], $0x400  }
0x42: {  	[sflag:s9] =	ssyncset.done @p1 $0x0  }
0x43: {  	[sflag:s9] =	ssyncadd.s32 @p1 $0xFFFFFC00  }
.LBB2_2:
0x44: {  	s9 =	sshll.u32 s8, $0xC  }
0x45: {  	s9 =	sadd.s32 s11, s9  }
0x46: {  	s12 =	sshrl.u32 s9, $0x3  }
0x47: {  	s9 =	simm.s32 $0x0;
	s13 =	sadd.s32 s6, s12  }
0x48: {  	[tilespmem:s22], [sflag:$0x4] =	stream.linear.gather [hbm4b:s13+s9], $0x1000, $0x38;
	[tilespmem:$0x1D780] =	vst v63  }
0x49: {  	_ =	swait.ge [sflag:s18], $0x1000  }
0x4a: {  	[sflag:s18] =	ssyncset.done $0x0  }
0x4b: {  	s17 =	sadd.s32 s7, s12;
	s12 =	simm.s32 $0x14C00;
	[sflag:s18] =	ssyncadd.s32 $0xFFFFF000  }
0x4c: {  	[tilespmem:s12], [sflag:$0x4] =	stream.linear.gather [hbm4b:s17+s9], $0x1000, $0x38;
	[tilespmem:$0x1D780] =	vst v63  }
0x4d: {  	_ =	swait.ge [sflag:s18], $0x1000  }
0x4e: {  	[sflag:s18] =	ssyncset.done $0x0  }
0x4f: {  	[sflag:s18] =	ssyncadd.s32 $0xFFFFF000  }
0x50: {  	[tilespmem:s24], [sflag:$0x1] =	stream.indirect.gather [spmem:s2], $0x40, s22, s23, $0xb8;
	[tilespmem:$0x1D780] =	vst v63  }
0x51: {  	_ = 	snop  }
0x52: {  	[tilespmem:s26], [sflag:$0x1] =	stream.indirect.gather [spmem:s2], $0x40, s25, s23, $0xb8;
	[tilespmem:$0x1D780] =	vst v63  }
.Ltmp4:
0x53: {  	p2 =	sgt.u32 s8, $0x1;
	(pc) =	sbr.rel .LBB2_3-.Ltmp4, $4  }
0x54: {  	p1 =	por !p2, !p2  }
0x55: {  	[tilespmem:s29], [sflag:$0x1] =	stream.indirect.gather [spmem:s2], $0x40, s28, s23, $0xb8;
	[tilespmem:$0x1D780] =	vst v63  }
0x56: {  	p1 =	por @!p0 p2, p2;
	s13 =	simm.s32 $0x13D00  }
0x57: {  	[tilespmem:s31], [sflag:$0x1] =	stream.indirect.gather [spmem:s2], $0x40, s30, s23, $0xb8;
	[tilespmem:$0x1D780] =	vst v63  }
.LBB2_4:
0x58: {  	s15 =	sadd.s32 $0x334, s15  }
0x59: {  	s15 =	sshrl.u32 s15, $0xA  }
0x5a: {  	s15 =	sand.u32 $0x3F, s15  }
0x5b: {  	s15 =	smul.u32 $0x5, s15;
	_ =	sdelay $0x1  }
0x5c: {  	s15 =	ssub.s32 s9, s15  }
0x5d: {  	s15 =	sadd.s32 $0x4, s15  }
0x5e: {  	s15 =	sand.u32 $0xFF, s15  }
0x5f: {  	p2 =	seq.s32 @p1 s9, $0x0;
	s15 =	sshll.u32 s15, $0xC  }
0x60: {  	p2 =	por !p1, p2;
	s15 =	sadd.s32 $0x15C00, s15  }
0x61: {  	[tilespmem:s15], [sflag:$0x1] =	stream.indirect.gather [spmem:s2], $0x40, s13, s23, $0xb8;
	[tilespmem:$0x1D780] =	vst v63  }
.Ltmp5:
0x62: {  	_ = 	snop;
	(pc) =	sbr.rel @p2 .LBB2_8-.Ltmp5, $4  }
0x63: {  	_ = 	snop  }
0x64: {  	[spmem:s3] =	stream.indirect.scatter.add.f32 [tilespmem:s16], [sflag:$0x2], $0x40, s12, s23, $0xb8;
	[tilespmem:$0x1D780] =	vst v63  }
0x65: {  	s15 =	simm.s32 @p1 $0x40;
	s16 =	simm.s32 @p1 $0x1D380  }
0x66: {  	[spmem:s4] =	stream.indirect.scatter.add.f32 @p1 [tilespmem:s16], [sflag:$0x3], $0x10, s12, s15, $0xb8;
	[tilespmem:$0x1D780] =	vst v63  }
.LBB2_7:
0x67: {  	_ =	swait.ge [sflag:s1], $0x400  }
0x68: {  	[sflag:s1] =	ssyncset.done $0x0  }
0x69: {  	[sflag:s1] =	ssyncadd.s32 $0xFFFFFC00  }
.LBB2_8:
0x6a: {  	s9 =	sadd.s32 $0x1, s9  }
0x6b: {  	p2 =	sne.s32 s9, $0x40  }
.Ltmp6:
0x6c: {  	_ = 	snop;
	(pc) =	sbr.rel @!p2 .LBB2_9-.Ltmp6, $2  }
0x6d: {  	_ =	sdelay $0x2  }
0x6e: {  	s12 =	sadd.s32 $0x40, s12;
	s13 =	sadd.s32 $0x40, s13  }
.LBB2_3:
0x6f: {  	s15 =	smul.u32 $0xCD, s9;
	_ =	sdelay $0x1  }
0x70: {  	p2 =	seq.s32 s9, $0x0;
	s16 =	sshrl.u32 s15, $0xA  }
0x71: {  	p3 =	sgt.u32 @!p2 s9, $0x3B;
	s16 =	sand.u32 $0x3F, s16  }
0x72: {  	_ =	swait.ge [sflag:s0], $0x1000;
	p3 =	por p2, !p3;
	s16 =	smul.u32 $0x5, s16  }
.Ltmp7:
0x73: {  	[sflag:s0] =	ssyncset.done $0x0;
	(pc) =	sbr.rel @p3 .LBB2_4-.Ltmp7, $4  }
0x74: {  	s17 =	simm.s32 @!p2 $0x2;
	[sflag:s0] =	ssyncadd.s32 $0xFFFFF000;
	s16 =	ssub.s32 s9, s16  }
0x75: {  	_ =	swait.ge @!p2 [sflag:s17], $0x1000;
	s16 =	sand.u32 $0xFF, s16  }
0x76: {  	[sflag:s17] =	ssyncset.done @!p2 $0x0;
	s16 =	sshll.u32 s16, $0xC  }
0x77: {  	[sflag:s17] =	ssyncadd.s32 @!p2 $0xFFFFF000;
	s16 =	sadd.s32 $0x15C00, s16  }
.Ltmp8:
0x78: {  	(pc) =	sbr.rel @!p1 .LBB2_8-.Ltmp8, $2  }
0x79: {  	_ =	sdelay $0x2  }
0x7a: {  	[spmem:s3] =	stream.indirect.scatter.add.f32 [tilespmem:s16], [sflag:$0x2], $0x40, s12, s23, $0xb8;
	[tilespmem:$0x1D780] =	vst v63  }
.Ltmp9:
0x7b: {  	(pc) =	sbr.rel .LBB2_7-.Ltmp9, $2  }
0x7c: {  	_ =	sdelay $0x2  }
0x7d: {  	[spmem:s4] =	stream.indirect.scatter.add.f32 [tilespmem:s21], [sflag:$0x3], $0x10, s12, s23, $0xb8;
	[tilespmem:$0x1D780] =	vst v63  }
.LBB2_11:
0x7e: {  	_ =	sfence.sel $0x180000  }
0x7f: {  	[bflag:$0x0] =	sbarrier.arrive $0xFFFF  }
0x80: {  	_ =	strace $0x90000047  }
0x81: {  	s0 =	stileid.u32;
	[bflag:$0x2] =	sbarrier.arrive $0xFFFF  }
0x82: {  	p0 =	sne.s32 s0, $0x0;
	s0 =	rddreg [dreg:$0x5]  }
0x83: {  	s0 =	sadd.s32 @!p0 $0x100000, s0  }
0x84: {  	[sflag:s0] =	ssyncadd.tile.s32 @!p0 $0x1;
	_ =	shalt  }
.Lfunc_end2:
_tile_overlayer_lowered:
.L_overlay_start_2:
0x85: {  	(tag) =	ssettag $0x2  }
0x86: {  	s0 =	rddreg [dreg:$0x0];
	s2 =	stileid.u32  }
0x87: {  	s1 =	rddreg [dreg:$0x1];
	p0 =	sne.s32 s2, $0x0  }
0x88: {  	s3 =	rddreg [dreg:$0x2];
	[bflag:$0x3] =	sbarrier.arrive $0xFFFF;
	s2 =	simm.s32 @!p0 $0x1C04  }
0x89: {  	[timem:s3], [sflag:s2] =	dma.local @!p0 [hbm:s0], s1  }
0x8a: {  	s0 =	simm.s32 @!p0 $0x4  }
0x8b: {  	_ =	swait.ge @!p0 [sflag:s0], s1  }
0x8c: {  	s1 =	ssub.s32 @!p0 $0x0, s1;
	[sflag:s0] =	ssyncset.done @!p0 $0x0  }
0x8d: {  	[sflag:s0] =	ssyncadd.s32 @!p0 s1  }
0x8e: {  	[bflag:$0x3] =	sbarrier.arrive $0xFFFF  }
0x8f: {  	_ =	shalt  }

</sc_bundles>
